<compile_context>
chip_gen: v7x
topology: tpu7x:2x2x1
jax: 0.10.2.dev20260603
libtpu: 0.0.44.dev20260713+nightly
codegen_flags: <defaults>
</compile_context>

<pallas_src>
import functools

import jax
import jax.numpy as jnp
from jax import lax
from jax.experimental import pallas as pl
from jax.experimental.pallas import tpu as pltpu
from jax.experimental.pallas import tpu_sc as plsc

N = 10000
D = 128
K = 16
C = 10112
RPAD = 10240
RBLK = 256
BIG = 1e30


def _pq_kernel(x_ref, wp_ref, wq_ref, b1_ref, p_ref, q_ref):
    x = x_ref[...]
    p_ref[...] = jnp.dot(x, wp_ref[...], preferred_element_type=jnp.float32)
    q_ref[...] = (
        jnp.dot(x, wq_ref[...], preferred_element_type=jnp.float32) + b1_ref[...]
    )


def _compute_pq(x_pad, wp, wq, b1):
    return pl.pallas_call(
        _pq_kernel,
        out_shape=(
            jax.ShapeDtypeStruct((RPAD, D), jnp.float32),
            jax.ShapeDtypeStruct((RPAD, D), jnp.float32),
        ),
    )(x_pad, wp, wq, b1.reshape(1, D))


def _knn_kernel(xt_ref, xb_ref, nbr_ref):
    i = pl.program_id(0)
    x0 = xt_ref[0:1, :]
    x1 = xt_ref[1:2, :]
    x2 = xt_ref[2:3, :]
    sq_c = x0 * x0 + x1 * x1 + x2 * x2
    xb = xb_ref[...]
    b0 = xb[:, 0:1]
    b1 = xb[:, 1:2]
    b2 = xb[:, 2:3]
    sq_r = b0 * b0 + b1 * b1 + b2 * b2
    dot = jnp.dot(xb, xt_ref[0:3, :], preferred_element_type=jnp.float32)
    cols = lax.broadcasted_iota(jnp.int32, (RBLK, C), 1)
    rows = RBLK * i + lax.broadcasted_iota(jnp.int32, (RBLK, 1), 0)
    dist = jnp.where(cols == rows, BIG, sq_r + sq_c - 2.0 * dot)

    CH = C // 128
    d3 = dist.reshape(RBLK, CH, 128)
    cm = jnp.min(d3, axis=2)
    ch_iota = lax.broadcasted_iota(jnp.int32, (RBLK, CH), 1).astype(
        jnp.float32
    )
    k_iota = lax.broadcasted_iota(jnp.int32, (RBLK, K), 1)
    ct = jnp.zeros((RBLK, K), jnp.float32)
    for t in range(K):
        m = jnp.min(cm, axis=1, keepdims=True)
        c = jnp.min(jnp.where(cm == m, ch_iota, float(CH)), axis=1,
                    keepdims=True)
        ct = jnp.where(k_iota == t, c, ct)
        cm = jnp.where(ch_iota == c, BIG, cm)

    oh_iota = lax.broadcasted_iota(jnp.int32, (RBLK, K, CH), 2).astype(
        jnp.float32
    )
    oh = (ct[:, :, None] == oh_iota).astype(jnp.float32)
    sv = lax.dot_general(
        oh, d3, (((2,), (1,)), ((0,), (0,))),
        preferred_element_type=jnp.float32,
        precision=lax.Precision.HIGHEST,
    )
    gi = ct[:, :, None] * 128.0 + lax.broadcasted_iota(
        jnp.int32, (RBLK, K, 128), 2
    ).astype(jnp.float32)
    sv = sv.reshape(RBLK, K * 128)
    gi = gi.reshape(RBLK, K * 128)

    out = jnp.zeros((RBLK, K), jnp.float32)
    for t in range(K):
        m = jnp.min(sv, axis=1, keepdims=True)
        idx = jnp.min(
            jnp.where(sv == m, gi, float(C)), axis=1, keepdims=True
        )
        out = jnp.where(k_iota == t, idx, out)
        sv = jnp.where(gi == idx, BIG, sv)
    nbr_ref[...] = out.astype(jnp.int32)


def _knn(xt_pad, xyz_pad):
    return pl.pallas_call(
        _knn_kernel,
        grid=(RPAD // RBLK,),
        in_specs=[
            pl.BlockSpec((8, C), lambda i: (0, 0)),
            pl.BlockSpec((RBLK, 3), lambda i: (i, 0)),
        ],
        out_specs=pl.BlockSpec((RBLK, K), lambda i: (i, 0)),
        out_shape=jax.ShapeDtypeStruct((RPAD, K), jnp.int32),
    )(xt_pad, xyz_pad)


EPAD = RPAD * K
_GCHUNK = 256


def _make_gather():
    info = plsc.get_sparse_core_info()
    nw = info.num_cores * info.num_subcores
    b_per_w = EPAD // nw
    nsteps = b_per_w // _GCHUNK
    mesh = plsc.VectorSubcoreMesh(core_axis_name="c", subcore_axis_name="s")

    @functools.partial(
        pl.kernel,
        mesh=mesh,
        out_type=jax.ShapeDtypeStruct((EPAD, D), jnp.float32),
        scratch_types=[
            pltpu.VMEM((_GCHUNK,), jnp.int32),
            pltpu.VMEM((_GCHUNK, D), jnp.float32),
            pltpu.SemaphoreType.DMA,
        ],
    )
    def gather(p_hbm, idx_hbm, out_hbm, idx_v, rows_v, sem):
        wid = lax.axis_index("s") * info.num_cores + lax.axis_index("c")
        base = wid * b_per_w

        def body(c, carry):
            off = base + c * _GCHUNK
            pltpu.sync_copy(idx_hbm.at[pl.ds(off, _GCHUNK)], idx_v)
            pltpu.async_copy(p_hbm.at[idx_v], rows_v, sem).wait()
            pltpu.sync_copy(rows_v, out_hbm.at[pl.ds(off, _GCHUNK)])
            return carry

        lax.fori_loop(0, nsteps, body, 0)

    return gather


def _mlp_kernel(q_ref, pg_ref, xyz_ref, w2_ref, b2_ref, o_ref):
    q = q_ref[...].reshape(RBLK, 1, D)
    z = pg_ref[...].reshape(RBLK, K, D) + q
    h = jnp.maximum(z, 0.0).reshape(RBLK * K, D)
    msg = jnp.dot(h, w2_ref[...], preferred_element_type=jnp.float32)
    mx = jnp.max(msg.reshape(RBLK, K, 3), axis=1)
    o_ref[...] = xyz_ref[...] + (mx + b2_ref[...])


def _mlp_max(q, pg, xyz_pad, w2, b2):
    return pl.pallas_call(
        _mlp_kernel,
        grid=(RPAD // RBLK,),
        in_specs=[
            pl.BlockSpec((RBLK, D), lambda i: (i, 0)),
            pl.BlockSpec((RBLK * K, D), lambda i: (i, 0)),
            pl.BlockSpec((RBLK, 3), lambda i: (i, 0)),
            pl.BlockSpec((D, 3), lambda i: (0, 0)),
            pl.BlockSpec((1, 3), lambda i: (0, 0)),
        ],
        out_specs=pl.BlockSpec((RBLK, 3), lambda i: (i, 0)),
        out_shape=jax.ShapeDtypeStruct((RPAD, 3), jnp.float32),
    )(q, pg, xyz_pad, w2, b2.reshape(1, 3))


def kernel(xyz, feat, W1, b1, W2, b2):
    in_half = D + 3
    w1a, w1b = W1[:in_half], W1[in_half:]
    wq = w1a - w1b

    xyz_pad = jnp.pad(xyz, ((0, RPAD - N), (0, 0)))
    xt_pad = jnp.pad(xyz.T, ((0, 5), (0, C - N)), constant_values=1e15)

    x = jnp.concatenate([feat, xyz], axis=-1)
    x_pad = jnp.pad(x, ((0, RPAD - N), (0, 0)))

    p, q = _compute_pq(x_pad, w1b, wq, b1)

    nbr = _knn(xt_pad, xyz_pad)
    idx = nbr.reshape(-1)

    pg = _make_gather()(p, idx)

    out = _mlp_max(q, pg, xyz_pad, W2, b2)
    return out[:N]

# --- scband reference (transcript-rebuilt; emitter-appended) ---
"""Pipeline reference for scband-gnnrefiner-16140487098441 (READ-ONLY COPY).

The authoritative reference and input builder live on the scoring server;
editing this copy changes nothing except your own understanding.
"""

import jax, jax.numpy as jnp
import numpy as np

N = 10000
D = 128
K = 16


def setup_inputs(seed: int = 0) -> dict:
    key = jax.random.key(seed)
    k1, k2, k3, k4 = jax.random.split(key, 4)
    xyz = jax.random.uniform(k1, (N, 3), dtype=jnp.float32)
    feat = jax.random.normal(k2, (N, D), dtype=jnp.float32)
    in_dim = 2 * (D + 3)
    W1 = jax.random.normal(k3, (in_dim, D), dtype=jnp.float32) / np.sqrt(in_dim)
    b1 = jnp.zeros((D,), jnp.float32)
    W2 = jax.random.normal(k4, (D, 3), dtype=jnp.float32) / np.sqrt(D)
    b2 = jnp.zeros((3,), jnp.float32)
    return {"xyz": xyz, "feat": feat, "W1": W1, "b1": b1, "W2": W2, "b2": b2}


def knn_graph(xyz, k):
    # pairwise squared distances, exclude self-loops (loop=False)
    n = xyz.shape[0]
    sq = jnp.sum(xyz * xyz, axis=1)
    dist = sq[:, None] + sq[None, :] - 2.0 * (xyz @ xyz.T)
    dist = dist.at[jnp.arange(n), jnp.arange(n)].set(jnp.inf)
    _, nbr = jax.lax.top_k(-dist, k)  # [N, k] neighbor (source) indices per center
    src = nbr.reshape(-1)
    tgt = jnp.repeat(jnp.arange(n), k)
    # PyG convention: edge_index[0]=source (neighbor j), edge_index[1]=target (center i)
    return jnp.stack([src, tgt], axis=0)


def reference(xyz, feat, W1, b1, W2, b2):
    edge_index = knn_graph(xyz, K)
    src, dst = edge_index[0], edge_index[1]
    x = jnp.concatenate([feat, xyz], axis=-1)  # [N, D+3]
    x_i = jnp.take(x, dst, axis=0)  # center features per edge
    x_j = jnp.take(x, src, axis=0)  # neighbor features per edge
    h = jnp.concatenate([x_i, x_j - x_i], axis=-1)  # [E, 2*(D+3)]
    h = jnp.maximum(h @ W1 + b1, 0.0)
    msg = h @ W2 + b2  # [E, 3]
    agg = jax.ops.segment_max(msg, dst, num_segments=xyz.shape[0])
    # PyG max-aggr fills empty segments with 0 (none empty here since knn gives k nbrs each)
    agg = jnp.where(jnp.isfinite(agg), agg, 0.0)
    return xyz + agg

if __name__ == "__main__":
    import jax
    _d = setup_inputs()
    print(jax.jit(kernel)(*tuple(_d.values())))

</pallas_src>

<mosaic_0001>
#map = affine_map<(d0, d1) -> (0, 0)>
#map1 = affine_map<(d0, d1) -> (0)>
module attributes {stable_mosaic.version = 14 : i64} {
  func.func @gather(%arg0: i32, %arg1: i32, %arg2: memref<10240x128xf32, #tpu.memory_space<hbm>>, %arg3: memref<163840xi32, #tpu.memory_space<hbm>>, %arg4: memref<163840x128xf32, #tpu.memory_space<hbm>>, %arg5: memref<256xi32, #tpu.memory_space<vmem>>, %arg6: memref<256x128xf32, #tpu.memory_space<vmem>>, %arg7: memref<!tpu.dma_semaphore, #tpu.memory_space<semaphore_mem>>) attributes {dimension_semantics = [#tpu.dimension_semantics<core_parallel>, #tpu.dimension_semantics<subcore_parallel>], iteration_bounds = array<i64: 2, 16>, scalar_prefetch = 0 : i64, scratch_operands = 3 : i64, tpu.core_type = #tpu.core_type<sc_vector_subcore>, window_params = [{transform_indices = #map}, {transform_indices = #map1}, {transform_indices = #map}]} {
    %mul3A = arith.constant 2 : i32
    %mul3A_0 = arith.muli %arg1, %mul3A : i32
    %add3A = arith.addi %mul3A_0, %arg0 : i32
    %mul3A_1 = arith.constant 5120 : i32
    %mul3A_2 = arith.muli %add3A, %mul3A_1 : i32
    %scan3A = arith.constant 0 : i32
    %scan3A_3 = arith.constant 0 : i32
    %scan3A_4 = arith.constant 20 : i32
    %scan3A_5 = arith.addi %scan3A_3, %scan3A_4 : i32
    %scan3A_6 = arith.constant 1 : i32
    scf.for %scan3A_8 = %scan3A_3 to %scan3A_5 step %scan3A_6  : i32 {
      %mul3A_9 = arith.constant 256 : i32
      %mul3A_10 = arith.muli %scan3A_8, %mul3A_9 : i32
      %add3A_11 = arith.addi %mul3A_2, %mul3A_10 : i32
      "tpu.region"() ({
        %run_scoped3A = tpu.sem_alloc : memref<!tpu.dma_semaphore, #tpu.memory_space<semaphore_mem>>
        %dma_start3A_16 = tpu.memref_slice %arg3[%add3A_11] : memref<163840xi32, #tpu.memory_space<hbm>> -> memref<256xi32, #tpu.memory_space<hbm>>
        %dma_start3A_17 = tpu.memref_slice %arg3[%add3A_11] : memref<163840xi32, #tpu.memory_space<hbm>> -> memref<256xi32, #tpu.memory_space<hbm>>
        tpu.enqueue_dma source(%dma_start3A_17 : memref<256xi32, #tpu.memory_space<hbm>>) target(%arg5 : memref<256xi32, #tpu.memory_space<vmem>>) target_semaphore(%run_scoped3A : memref<!tpu.dma_semaphore, #tpu.memory_space<semaphore_mem>>)
        %dma_wait3A_18 = tpu.memref_slice %arg3[%add3A_11] : memref<163840xi32, #tpu.memory_space<hbm>> -> memref<256xi32, #tpu.memory_space<hbm>>
        %dma_wait3A_19 = tpu.memref_slice %arg3[%add3A_11] : memref<163840xi32, #tpu.memory_space<hbm>> -> memref<256xi32, #tpu.memory_space<hbm>>
        tpu.wait_dma2 semaphore(%run_scoped3A : memref<!tpu.dma_semaphore, #tpu.memory_space<semaphore_mem>>) src(%dma_wait3A_19 : memref<256xi32, #tpu.memory_space<hbm>>) dst(%arg5 : memref<256xi32, #tpu.memory_space<vmem>>)
        tpu.yield
      }) : () -> ()
      %dma_start3A = arith.constant 0 : i32
      %dma_start3A_12 = arith.constant 0 : i32
      %dma_start3A_13 = tpu.memref_slice %arg2[%dma_start3A, %dma_start3A_12] : memref<10240x128xf32, #tpu.memory_space<hbm>> -> memref<10240x128xf32, #tpu.memory_space<hbm>>
      tpu.enqueue_indirect_dma source(%dma_start3A_13 : memref<10240x128xf32, #tpu.memory_space<hbm>>) target(%arg6 : memref<256x128xf32, #tpu.memory_space<vmem>>) offsets(%arg5 : memref<256xi32, #tpu.memory_space<vmem>>) semaphore(%arg7 : memref<!tpu.dma_semaphore, #tpu.memory_space<semaphore_mem>>)
      %dma_wait3A = arith.constant 0 : i32
      %dma_wait3A_14 = arith.constant 0 : i32
      %dma_wait3A_15 = tpu.memref_slice %arg2[%dma_wait3A, %dma_wait3A_14] : memref<10240x128xf32, #tpu.memory_space<hbm>> -> memref<10240x128xf32, #tpu.memory_space<hbm>>
      tpu.wait_indirect_dma semaphore(%arg7 : memref<!tpu.dma_semaphore, #tpu.memory_space<semaphore_mem>>) src(%dma_wait3A_15 : memref<10240x128xf32, #tpu.memory_space<hbm>>) dst(%arg6 : memref<256x128xf32, #tpu.memory_space<vmem>>)
      "tpu.region"() ({
        %run_scoped3A = tpu.sem_alloc : memref<!tpu.dma_semaphore, #tpu.memory_space<semaphore_mem>>
        %dma_start3A_16 = arith.constant 0 : i32
        %dma_start3A_17 = tpu.memref_slice %arg4[%add3A_11, %dma_start3A_16] : memref<163840x128xf32, #tpu.memory_space<hbm>> -> memref<256x128xf32, #tpu.memory_space<hbm>>
        %dma_start3A_18 = arith.constant 0 : i32
        %dma_start3A_19 = tpu.memref_slice %arg4[%add3A_11, %dma_start3A_18] : memref<163840x128xf32, #tpu.memory_space<hbm>> -> memref<256x128xf32, #tpu.memory_space<hbm>>
        tpu.enqueue_dma source(%arg6 : memref<256x128xf32, #tpu.memory_space<vmem>>) target(%dma_start3A_19 : memref<256x128xf32, #tpu.memory_space<hbm>>) target_semaphore(%run_scoped3A : memref<!tpu.dma_semaphore, #tpu.memory_space<semaphore_mem>>)
        %dma_wait3A_20 = arith.constant 0 : i32
        %dma_wait3A_21 = tpu.memref_slice %arg4[%add3A_11, %dma_wait3A_20] : memref<163840x128xf32, #tpu.memory_space<hbm>> -> memref<256x128xf32, #tpu.memory_space<hbm>>
        %dma_wait3A_22 = arith.constant 0 : i32
        %dma_wait3A_23 = tpu.memref_slice %arg4[%add3A_11, %dma_wait3A_22] : memref<163840x128xf32, #tpu.memory_space<hbm>> -> memref<256x128xf32, #tpu.memory_space<hbm>>
        tpu.wait_dma2 semaphore(%run_scoped3A : memref<!tpu.dma_semaphore, #tpu.memory_space<semaphore_mem>>) src(%arg6 : memref<256x128xf32, #tpu.memory_space<vmem>>) dst(%dma_wait3A_23 : memref<256x128xf32, #tpu.memory_space<hbm>>)
        tpu.yield
      }) : () -> ()
    }
    %scan3A_7 = arith.constant 20 : i32
    return
  }
}

module attributes {stable_mosaic.version = 14 : i64} {
  func.func @_knn_kernel(%arg0: i32, %arg1: memref<8x10112xf32, #tpu.memory_space<vmem>>, %arg2: memref<256x3xf32, #tpu.memory_space<vmem>>, %arg3: memref<256x16xi32, #tpu.memory_space<vmem>>) attributes {dimension_semantics = [#tpu.dimension_semantics<arbitrary>], iteration_bounds = array<i64: 40>, scalar_prefetch = 0 : i64, scratch_operands = 0 : i64, tpu.core_type = #tpu.core_type<tc>, window_params = [{pipeline_mode = #tpu.pipeline_mode<synchronous>, transform_indices = @transform_0, window_bounds = array<i64: 8, 10112>}, {transform_indices = @transform_1, window_bounds = array<i64: 256, 3>}, {transform_indices = @transform_2, window_bounds = array<i64: 256, 16>}]} {
    %get3A = arith.constant 0 : index
    %get3A_0 = arith.constant 0 : index
    %get3A_1 = vector.load %arg1[%get3A, %get3A_0] : memref<8x10112xf32, #tpu.memory_space<vmem>>, vector<1x10112xf32>
    %get3A_2 = arith.constant 1 : index
    %get3A_3 = arith.constant 0 : index
    %get3A_4 = vector.load %arg1[%get3A_2, %get3A_3] : memref<8x10112xf32, #tpu.memory_space<vmem>>, vector<1x10112xf32>
    %get3A_5 = arith.constant 2 : index
    %get3A_6 = arith.constant 0 : index
    %get3A_7 = vector.load %arg1[%get3A_5, %get3A_6] : memref<8x10112xf32, #tpu.memory_space<vmem>>, vector<1x10112xf32>
    %mul3A = arith.mulf %get3A_1, %get3A_1 : vector<1x10112xf32>
    %mul3A_8 = arith.mulf %get3A_4, %get3A_4 : vector<1x10112xf32>
    %add3A = arith.addf %mul3A, %mul3A_8 : vector<1x10112xf32>
    %mul3A_9 = arith.mulf %get3A_7, %get3A_7 : vector<1x10112xf32>
    %add3A_10 = arith.addf %add3A, %mul3A_9 : vector<1x10112xf32>
    %get3A_11 = arith.constant 0 : index
    %get3A_12 = arith.constant 0 : index
    %get3A_13 = vector.load %arg2[%get3A_11, %get3A_12] : memref<256x3xf32, #tpu.memory_space<vmem>>, vector<256x3xf32>
    %slice3A = vector.extract_strided_slice %get3A_13 {offsets = [0, 0], sizes = [256, 1], strides = [1, 1]} : vector<256x3xf32> to vector<256x1xf32>
    %slice3A_14 = vector.extract_strided_slice %get3A_13 {offsets = [0, 1], sizes = [256, 1], strides = [1, 1]} : vector<256x3xf32> to vector<256x1xf32>
    %slice3A_15 = vector.extract_strided_slice %get3A_13 {offsets = [0, 2], sizes = [256, 1], strides = [1, 1]} : vector<256x3xf32> to vector<256x1xf32>
    %mul3A_16 = arith.mulf %slice3A, %slice3A : vector<256x1xf32>
    %mul3A_17 = arith.mulf %slice3A_14, %slice3A_14 : vector<256x1xf32>
    %add3A_18 = arith.addf %mul3A_16, %mul3A_17 : vector<256x1xf32>
    %mul3A_19 = arith.mulf %slice3A_15, %slice3A_15 : vector<256x1xf32>
    %add3A_20 = arith.addf %add3A_18, %mul3A_19 : vector<256x1xf32>
    %get3A_21 = arith.constant 0 : index
    %get3A_22 = arith.constant 0 : index
    %get3A_23 = vector.load %arg1[%get3A_21, %get3A_22] : memref<8x10112xf32, #tpu.memory_space<vmem>>, vector<3x10112xf32>
    %dot_general3A = arith.constant dense<0.000000e+00> : vector<256x10112xf32>
    %dot_general3A_24 = tpu.matmul %get3A_13, %get3A_23, %dot_general3A {dimension_numbers = #tpu.dot_dimension_numbers<[1], [0], [0], [1], [0, 0, 1, 1], [], []>, transpose_lhs_hint = false} : vector<256x3xf32>, vector<3x10112xf32>, vector<256x10112xf32> -> vector<256x10112xf32>
    %iota3A = tpu.iota {dimensions = array<i32: 1>} : vector<256x10112xi32>
    %mul3A_25 = arith.constant 256 : i32
    %mul3A_26 = arith.muli %mul3A_25, %arg0 : i32
    %iota3A_27 = tpu.iota {dimensions = array<i32: 0>} : vector<256x1xi32>
    %add3A_28 = vector.broadcast %mul3A_26 : i32 to vector<256x1xi32>
    %add3A_29 = arith.addi %add3A_28, %iota3A_27 : vector<256x1xi32>
    %eq3A = vector.broadcast %add3A_29 : vector<256x1xi32> to vector<256x10112xi32>
    %eq3A_30 = arith.cmpi eq, %iota3A, %eq3A : vector<256x10112xi32>
    %add3A_31 = vector.broadcast %add3A_20 : vector<256x1xf32> to vector<256x10112xf32>
    %add3A_32 = vector.broadcast %add3A_10 : vector<1x10112xf32> to vector<256x10112xf32>
    %add3A_33 = arith.addf %add3A_31, %add3A_32 : vector<256x10112xf32>
    %mul3A_34 = arith.constant 2.000000e+00 : f32
    %mul3A_35 = vector.broadcast %mul3A_34 : f32 to vector<256x10112xf32>
    %mul3A_36 = arith.mulf %mul3A_35, %dot_general3A_24 : vector<256x10112xf32>
    %sub3A = arith.subf %add3A_33, %mul3A_36 : vector<256x10112xf32>
    %jit3A = arith.constant 1.000000e+30 : f32
    %broadcast_in_dim3A = vector.broadcast %jit3A : f32 to vector<256x10112xf32>
    %select_n3A = arith.select %eq3A_30, %broadcast_in_dim3A, %sub3A : vector<256x10112xi1>, vector<256x10112xf32>
    %reshape3A = vector.shape_cast %select_n3A : vector<256x10112xf32> to vector<256x79x128xf32>
    %reduce_min3A = arith.constant dense<0x7F800000> : vector<256x79xf32>
    %reduce_min3A_37 = vector.multi_reduction <minimumf>, %reshape3A, %reduce_min3A [2] : vector<256x79x128xf32> to vector<256x79xf32>
    %iota3A_38 = tpu.iota {dimensions = array<i32: 1>} : vector<256x79xi32>
    %convert_element_type3A = arith.sitofp %iota3A_38 : vector<256x79xi32> to vector<256x79xf32>
    %iota3A_39 = tpu.iota {dimensions = array<i32: 1>} : vector<256x16xi32>
    %broadcast_in_dim3A_40 = arith.constant 0.000000e+00 : f32
    %broadcast_in_dim3A_41 = vector.broadcast %broadcast_in_dim3A_40 : f32 to vector<256x16xf32>
    %reduce_min3A_42 = arith.constant dense<0x7F800000> : vector<256xf32>
    %reduce_min3A_43 = vector.multi_reduction <minimumf>, %reduce_min3A_37, %reduce_min3A_42 [1] : vector<256x79xf32> to vector<256xf32>
    %broadcast_in_dim3A_44 = vector.shape_cast %reduce_min3A_43 : vector<256xf32> to vector<256x1xf32>
    %eq3A_45 = vector.broadcast %broadcast_in_dim3A_44 : vector<256x1xf32> to vector<256x79xf32>
    %eq3A_46 = arith.cmpf oeq, %reduce_min3A_37, %eq3A_45 : vector<256x79xf32>
    %jit3A_47 = arith.constant 7.900000e+01 : f32
    %broadcast_in_dim3A_48 = vector.broadcast %jit3A_47 : f32 to vector<256x79xf32>
    %select_n3A_49 = arith.select %eq3A_46, %convert_element_type3A, %broadcast_in_dim3A_48 : vector<256x79xi1>, vector<256x79xf32>
    %reduce_min3A_50 = arith.constant dense<0x7F800000> : vector<256xf32>
    %reduce_min3A_51 = vector.multi_reduction <minimumf>, %select_n3A_49, %reduce_min3A_50 [1] : vector<256x79xf32> to vector<256xf32>
    %broadcast_in_dim3A_52 = vector.shape_cast %reduce_min3A_51 : vector<256xf32> to vector<256x1xf32>
    %eq3A_53 = arith.constant 0 : i32
    %eq3A_54 = vector.broadcast %eq3A_53 : i32 to vector<256x16xi32>
    %eq3A_55 = arith.cmpi eq, %iota3A_39, %eq3A_54 : vector<256x16xi32>
    %broadcast_in_dim3A_56 = vector.shape_cast %broadcast_in_dim3A_52 : vector<256x1xf32> to vector<256x1xf32>
    %broadcast_in_dim3A_57 = vector.broadcast %broadcast_in_dim3A_56 : vector<256x1xf32> to vector<256x16xf32>
    %select_n3A_58 = arith.select %eq3A_55, %broadcast_in_dim3A_57, %broadcast_in_dim3A_41 : vector<256x16xi1>, vector<256x16xf32>
    %eq3A_59 = vector.broadcast %broadcast_in_dim3A_52 : vector<256x1xf32> to vector<256x79xf32>
    %eq3A_60 = arith.cmpf oeq, %convert_element_type3A, %eq3A_59 : vector<256x79xf32>
    %jit3A_61 = arith.constant 1.000000e+30 : f32
    %broadcast_in_dim3A_62 = vector.broadcast %jit3A_61 : f32 to vector<256x79xf32>
    %select_n3A_63 = arith.select %eq3A_60, %broadcast_in_dim3A_62, %reduce_min3A_37 : vector<256x79xi1>, vector<256x79xf32>
    %reduce_min3A_64 = arith.constant dense<0x7F800000> : vector<256xf32>
    %reduce_min3A_65 = vector.multi_reduction <minimumf>, %select_n3A_63, %reduce_min3A_64 [1] : vector<256x79xf32> to vector<256xf32>
    %broadcast_in_dim3A_66 = vector.shape_cast %reduce_min3A_65 : vector<256xf32> to vector<256x1xf32>
    %eq3A_67 = vector.broadcast %broadcast_in_dim3A_66 : vector<256x1xf32> to vector<256x79xf32>
    %eq3A_68 = arith.cmpf oeq, %select_n3A_63, %eq3A_67 : vector<256x79xf32>
    %jit3A_69 = arith.constant 7.900000e+01 : f32
    %broadcast_in_dim3A_70 = vector.broadcast %jit3A_69 : f32 to vector<256x79xf32>
    %select_n3A_71 = arith.select %eq3A_68, %convert_element_type3A, %broadcast_in_dim3A_70 : vector<256x79xi1>, vector<256x79xf32>
    %reduce_min3A_72 = arith.constant dense<0x7F800000> : vector<256xf32>
    %reduce_min3A_73 = vector.multi_reduction <minimumf>, %select_n3A_71, %reduce_min3A_72 [1] : vector<256x79xf32> to vector<256xf32>
    %broadcast_in_dim3A_74 = vector.shape_cast %reduce_min3A_73 : vector<256xf32> to vector<256x1xf32>
    %eq3A_75 = arith.constant 1 : i32
    %eq3A_76 = vector.broadcast %eq3A_75 : i32 to vector<256x16xi32>
    %eq3A_77 = arith.cmpi eq, %iota3A_39, %eq3A_76 : vector<256x16xi32>
    %broadcast_in_dim3A_78 = vector.shape_cast %broadcast_in_dim3A_74 : vector<256x1xf32> to vector<256x1xf32>
    %broadcast_in_dim3A_79 = vector.broadcast %broadcast_in_dim3A_78 : vector<256x1xf32> to vector<256x16xf32>
    %select_n3A_80 = arith.select %eq3A_77, %broadcast_in_dim3A_79, %select_n3A_58 : vector<256x16xi1>, vector<256x16xf32>
    %eq3A_81 = vector.broadcast %broadcast_in_dim3A_74 : vector<256x1xf32> to vector<256x79xf32>
    %eq3A_82 = arith.cmpf oeq, %convert_element_type3A, %eq3A_81 : vector<256x79xf32>
    %jit3A_83 = arith.constant 1.000000e+30 : f32
    %broadcast_in_dim3A_84 = vector.broadcast %jit3A_83 : f32 to vector<256x79xf32>
    %select_n3A_85 = arith.select %eq3A_82, %broadcast_in_dim3A_84, %select_n3A_63 : vector<256x79xi1>, vector<256x79xf32>
    %reduce_min3A_86 = arith.constant dense<0x7F800000> : vector<256xf32>
    %reduce_min3A_87 = vector.multi_reduction <minimumf>, %select_n3A_85, %reduce_min3A_86 [1] : vector<256x79xf32> to vector<256xf32>
    %broadcast_in_dim3A_88 = vector.shape_cast %reduce_min3A_87 : vector<256xf32> to vector<256x1xf32>
    %eq3A_89 = vector.broadcast %broadcast_in_dim3A_88 : vector<256x1xf32> to vector<256x79xf32>
    %eq3A_90 = arith.cmpf oeq, %select_n3A_85, %eq3A_89 : vector<256x79xf32>
    %jit3A_91 = arith.constant 7.900000e+01 : f32
    %broadcast_in_dim3A_92 = vector.broadcast %jit3A_91 : f32 to vector<256x79xf32>
    %select_n3A_93 = arith.select %eq3A_90, %convert_element_type3A, %broadcast_in_dim3A_92 : vector<256x79xi1>, vector<256x79xf32>
    %reduce_min3A_94 = arith.constant dense<0x7F800000> : vector<256xf32>
    %reduce_min3A_95 = vector.multi_reduction <minimumf>, %select_n3A_93, %reduce_min3A_94 [1] : vector<256x79xf32> to vector<256xf32>
    %broadcast_in_dim3A_96 = vector.shape_cast %reduce_min3A_95 : vector<256xf32> to vector<256x1xf32>
    %eq3A_97 = arith.constant 2 : i32
    %eq3A_98 = vector.broadcast %eq3A_97 : i32 to vector<256x16xi32>
    %eq3A_99 = arith.cmpi eq, %iota3A_39, %eq3A_98 : vector<256x16xi32>
    %broadcast_in_dim3A_100 = vector.shape_cast %broadcast_in_dim3A_96 : vector<256x1xf32> to vector<256x1xf32>
    %broadcast_in_dim3A_101 = vector.broadcast %broadcast_in_dim3A_100 : vector<256x1xf32> to vector<256x16xf32>
    %select_n3A_102 = arith.select %eq3A_99, %broadcast_in_dim3A_101, %select_n3A_80 : vector<256x16xi1>, vector<256x16xf32>
    %eq3A_103 = vector.broadcast %broadcast_in_dim3A_96 : vector<256x1xf32> to vector<256x79xf32>
    %eq3A_104 = arith.cmpf oeq, %convert_element_type3A, %eq3A_103 : vector<256x79xf32>
    %jit3A_105 = arith.constant 1.000000e+30 : f32
    %broadcast_in_dim3A_106 = vector.broadcast %jit3A_105 : f32 to vector<256x79xf32>
    %select_n3A_107 = arith.select %eq3A_104, %broadcast_in_dim3A_106, %select_n3A_85 : vector<256x79xi1>, vector<256x79xf32>
    %reduce_min3A_108 = arith.constant dense<0x7F800000> : vector<256xf32>
    %reduce_min3A_109 = vector.multi_reduction <minimumf>, %select_n3A_107, %reduce_min3A_108 [1] : vector<256x79xf32> to vector<256xf32>
    %broadcast_in_dim3A_110 = vector.shape_cast %reduce_min3A_109 : vector<256xf32> to vector<256x1xf32>
    %eq3A_111 = vector.broadcast %broadcast_in_dim3A_110 : vector<256x1xf32> to vector<256x79xf32>
    %eq3A_112 = arith.cmpf oeq, %select_n3A_107, %eq3A_111 : vector<256x79xf32>
    %jit3A_113 = arith.constant 7.900000e+01 : f32
    %broadcast_in_dim3A_114 = vector.broadcast %jit3A_113 : f32 to vector<256x79xf32>
    %select_n3A_115 = arith.select %eq3A_112, %convert_element_type3A, %broadcast_in_dim3A_114 : vector<256x79xi1>, vector<256x79xf32>
    %reduce_min3A_116 = arith.constant dense<0x7F800000> : vector<256xf32>
    %reduce_min3A_117 = vector.multi_reduction <minimumf>, %select_n3A_115, %reduce_min3A_116 [1] : vector<256x79xf32> to vector<256xf32>
    %broadcast_in_dim3A_118 = vector.shape_cast %reduce_min3A_117 : vector<256xf32> to vector<256x1xf32>
    %eq3A_119 = arith.constant 3 : i32
    %eq3A_120 = vector.broadcast %eq3A_119 : i32 to vector<256x16xi32>
    %eq3A_121 = arith.cmpi eq, %iota3A_39, %eq3A_120 : vector<256x16xi32>
    %broadcast_in_dim3A_122 = vector.shape_cast %broadcast_in_dim3A_118 : vector<256x1xf32> to vector<256x1xf32>
    %broadcast_in_dim3A_123 = vector.broadcast %broadcast_in_dim3A_122 : vector<256x1xf32> to vector<256x16xf32>
    %select_n3A_124 = arith.select %eq3A_121, %broadcast_in_dim3A_123, %select_n3A_102 : vector<256x16xi1>, vector<256x16xf32>
    %eq3A_125 = vector.broadcast %broadcast_in_dim3A_118 : vector<256x1xf32> to vector<256x79xf32>
    %eq3A_126 = arith.cmpf oeq, %convert_element_type3A, %eq3A_125 : vector<256x79xf32>
    %jit3A_127 = arith.constant 1.000000e+30 : f32
    %broadcast_in_dim3A_128 = vector.broadcast %jit3A_127 : f32 to vector<256x79xf32>
    %select_n3A_129 = arith.select %eq3A_126, %broadcast_in_dim3A_128, %select_n3A_107 : vector<256x79xi1>, vector<256x79xf32>
    %reduce_min3A_130 = arith.constant dense<0x7F800000> : vector<256xf32>
    %reduce_min3A_131 = vector.multi_reduction <minimumf>, %select_n3A_129, %reduce_min3A_130 [1] : vector<256x79xf32> to vector<256xf32>
    %broadcast_in_dim3A_132 = vector.shape_cast %reduce_min3A_131 : vector<256xf32> to vector<256x1xf32>
    %eq3A_133 = vector.broadcast %broadcast_in_dim3A_132 : vector<256x1xf32> to vector<256x79xf32>
    %eq3A_134 = arith.cmpf oeq, %select_n3A_129, %eq3A_133 : vector<256x79xf32>
    %jit3A_135 = arith.constant 7.900000e+01 : f32
    %broadcast_in_dim3A_136 = vector.broadcast %jit3A_135 : f32 to vector<256x79xf32>
    %select_n3A_137 = arith.select %eq3A_134, %convert_element_type3A, %broadcast_in_dim3A_136 : vector<256x79xi1>, vector<256x79xf32>
    %reduce_min3A_138 = arith.constant dense<0x7F800000> : vector<256xf32>
    %reduce_min3A_139 = vector.multi_reduction <minimumf>, %select_n3A_137, %reduce_min3A_138 [1] : vector<256x79xf32> to vector<256xf32>
    %broadcast_in_dim3A_140 = vector.shape_cast %reduce_min3A_139 : vector<256xf32> to vector<256x1xf32>
    %eq3A_141 = arith.constant 4 : i32
    %eq3A_142 = vector.broadcast %eq3A_141 : i32 to vector<256x16xi32>
    %eq3A_143 = arith.cmpi eq, %iota3A_39, %eq3A_142 : vector<256x16xi32>
    %broadcast_in_dim3A_144 = vector.shape_cast %broadcast_in_dim3A_140 : vector<256x1xf32> to vector<256x1xf32>
    %broadcast_in_dim3A_145 = vector.broadcast %broadcast_in_dim3A_144 : vector<256x1xf32> to vector<256x16xf32>
    %select_n3A_146 = arith.select %eq3A_143, %broadcast_in_dim3A_145, %select_n3A_124 : vector<256x16xi1>, vector<256x16xf32>
    %eq3A_147 = vector.broadcast %broadcast_in_dim3A_140 : vector<256x1xf32> to vector<256x79xf32>
    %eq3A_148 = arith.cmpf oeq, %convert_element_type3A, %eq3A_147 : vector<256x79xf32>
    %jit3A_149 = arith.constant 1.000000e+30 : f32
    %broadcast_in_dim3A_150 = vector.broadcast %jit3A_149 : f32 to vector<256x79xf32>
    %select_n3A_151 = arith.select %eq3A_148, %broadcast_in_dim3A_150, %select_n3A_129 : vector<256x79xi1>, vector<256x79xf32>
    %reduce_min3A_152 = arith.constant dense<0x7F800000> : vector<256xf32>
    %reduce_min3A_153 = vector.multi_reduction <minimumf>, %select_n3A_151, %reduce_min3A_152 [1] : vector<256x79xf32> to vector<256xf32>
    %broadcast_in_dim3A_154 = vector.shape_cast %reduce_min3A_153 : vector<256xf32> to vector<256x1xf32>
    %eq3A_155 = vector.broadcast %broadcast_in_dim3A_154 : vector<256x1xf32> to vector<256x79xf32>
    %eq3A_156 = arith.cmpf oeq, %select_n3A_151, %eq3A_155 : vector<256x79xf32>
    %jit3A_157 = arith.constant 7.900000e+01 : f32
    %broadcast_in_dim3A_158 = vector.broadcast %jit3A_157 : f32 to vector<256x79xf32>
    %select_n3A_159 = arith.select %eq3A_156, %convert_element_type3A, %broadcast_in_dim3A_158 : vector<256x79xi1>, vector<256x79xf32>
    %reduce_min3A_160 = arith.constant dense<0x7F800000> : vector<256xf32>
    %reduce_min3A_161 = vector.multi_reduction <minimumf>, %select_n3A_159, %reduce_min3A_160 [1] : vector<256x79xf32> to vector<256xf32>
    %broadcast_in_dim3A_162 = vector.shape_cast %reduce_min3A_161 : vector<256xf32> to vector<256x1xf32>
    %eq3A_163 = arith.constant 5 : i32
    %eq3A_164 = vector.broadcast %eq3A_163 : i32 to vector<256x16xi32>
    %eq3A_165 = arith.cmpi eq, %iota3A_39, %eq3A_164 : vector<256x16xi32>
    %broadcast_in_dim3A_166 = vector.shape_cast %broadcast_in_dim3A_162 : vector<256x1xf32> to vector<256x1xf32>
    %broadcast_in_dim3A_167 = vector.broadcast %broadcast_in_dim3A_166 : vector<256x1xf32> to vector<256x16xf32>
    %select_n3A_168 = arith.select %eq3A_165, %broadcast_in_dim3A_167, %select_n3A_146 : vector<256x16xi1>, vector<256x16xf32>
    %eq3A_169 = vector.broadcast %broadcast_in_dim3A_162 : vector<256x1xf32> to vector<256x79xf32>
    %eq3A_170 = arith.cmpf oeq, %convert_element_type3A, %eq3A_169 : vector<256x79xf32>
    %jit3A_171 = arith.constant 1.000000e+30 : f32
    %broadcast_in_dim3A_172 = vector.broadcast %jit3A_171 : f32 to vector<256x79xf32>
    %select_n3A_173 = arith.select %eq3A_170, %broadcast_in_dim3A_172, %select_n3A_151 : vector<256x79xi1>, vector<256x79xf32>
    %reduce_min3A_174 = arith.constant dense<0x7F800000> : vector<256xf32>
    %reduce_min3A_175 = vector.multi_reduction <minimumf>, %select_n3A_173, %reduce_min3A_174 [1] : vector<256x79xf32> to vector<256xf32>
    %broadcast_in_dim3A_176 = vector.shape_cast %reduce_min3A_175 : vector<256xf32> to vector<256x1xf32>
    %eq3A_177 = vector.broadcast %broadcast_in_dim3A_176 : vector<256x1xf32> to vector<256x79xf32>
    %eq3A_178 = arith.cmpf oeq, %select_n3A_173, %eq3A_177 : vector<256x79xf32>
    %jit3A_179 = arith.constant 7.900000e+01 : f32
    %broadcast_in_dim3A_180 = vector.broadcast %jit3A_179 : f32 to vector<256x79xf32>
    %select_n3A_181 = arith.select %eq3A_178, %convert_element_type3A, %broadcast_in_dim3A_180 : vector<256x79xi1>, vector<256x79xf32>
    %reduce_min3A_182 = arith.constant dense<0x7F800000> : vector<256xf32>
    %reduce_min3A_183 = vector.multi_reduction <minimumf>, %select_n3A_181, %reduce_min3A_182 [1] : vector<256x79xf32> to vector<256xf32>
    %broadcast_in_dim3A_184 = vector.shape_cast %reduce_min3A_183 : vector<256xf32> to vector<256x1xf32>
    %eq3A_185 = arith.constant 6 : i32
    %eq3A_186 = vector.broadcast %eq3A_185 : i32 to vector<256x16xi32>
    %eq3A_187 = arith.cmpi eq, %iota3A_39, %eq3A_186 : vector<256x16xi32>
    %broadcast_in_dim3A_188 = vector.shape_cast %broadcast_in_dim3A_184 : vector<256x1xf32> to vector<256x1xf32>
    %broadcast_in_dim3A_189 = vector.broadcast %broadcast_in_dim3A_188 : vector<256x1xf32> to vector<256x16xf32>
    %select_n3A_190 = arith.select %eq3A_187, %broadcast_in_dim3A_189, %select_n3A_168 : vector<256x16xi1>, vector<256x16xf32>
    %eq3A_191 = vector.broadcast %broadcast_in_dim3A_184 : vector<256x1xf32> to vector<256x79xf32>
    %eq3A_192 = arith.cmpf oeq, %convert_element_type3A, %eq3A_191 : vector<256x79xf32>
    %jit3A_193 = arith.constant 1.000000e+30 : f32
    %broadcast_in_dim3A_194 = vector.broadcast %jit3A_193 : f32 to vector<256x79xf32>
    %select_n3A_195 = arith.select %eq3A_192, %broadcast_in_dim3A_194, %select_n3A_173 : vector<256x79xi1>, vector<256x79xf32>
    %reduce_min3A_196 = arith.constant dense<0x7F800000> : vector<256xf32>
    %reduce_min3A_197 = vector.multi_reduction <minimumf>, %select_n3A_195, %reduce_min3A_196 [1] : vector<256x79xf32> to vector<256xf32>
    %broadcast_in_dim3A_198 = vector.shape_cast %reduce_min3A_197 : vector<256xf32> to vector<256x1xf32>
    %eq3A_199 = vector.broadcast %broadcast_in_dim3A_198 : vector<256x1xf32> to vector<256x79xf32>
    %eq3A_200 = arith.cmpf oeq, %select_n3A_195, %eq3A_199 : vector<256x79xf32>
    %jit3A_201 = arith.constant 7.900000e+01 : f32
    %broadcast_in_dim3A_202 = vector.broadcast %jit3A_201 : f32 to vector<256x79xf32>
    %select_n3A_203 = arith.select %eq3A_200, %convert_element_type3A, %broadcast_in_dim3A_202 : vector<256x79xi1>, vector<256x79xf32>
    %reduce_min3A_204 = arith.constant dense<0x7F800000> : vector<256xf32>
    %reduce_min3A_205 = vector.multi_reduction <minimumf>, %select_n3A_203, %reduce_min3A_204 [1] : vector<256x79xf32> to vector<256xf32>
    %broadcast_in_dim3A_206 = vector.shape_cast %reduce_min3A_205 : vector<256xf32> to vector<256x1xf32>
    %eq3A_207 = arith.constant 7 : i32
    %eq3A_208 = vector.broadcast %eq3A_207 : i32 to vector<256x16xi32>
    %eq3A_209 = arith.cmpi eq, %iota3A_39, %eq3A_208 : vector<256x16xi32>
    %broadcast_in_dim3A_210 = vector.shape_cast %broadcast_in_dim3A_206 : vector<256x1xf32> to vector<256x1xf32>
    %broadcast_in_dim3A_211 = vector.broadcast %broadcast_in_dim3A_210 : vector<256x1xf32> to vector<256x16xf32>
    %select_n3A_212 = arith.select %eq3A_209, %broadcast_in_dim3A_211, %select_n3A_190 : vector<256x16xi1>, vector<256x16xf32>
    %eq3A_213 = vector.broadcast %broadcast_in_dim3A_206 : vector<256x1xf32> to vector<256x79xf32>
    %eq3A_214 = arith.cmpf oeq, %convert_element_type3A, %eq3A_213 : vector<256x79xf32>
    %jit3A_215 = arith.constant 1.000000e+30 : f32
    %broadcast_in_dim3A_216 = vector.broadcast %jit3A_215 : f32 to vector<256x79xf32>
    %select_n3A_217 = arith.select %eq3A_214, %broadcast_in_dim3A_216, %select_n3A_195 : vector<256x79xi1>, vector<256x79xf32>
    %reduce_min3A_218 = arith.constant dense<0x7F800000> : vector<256xf32>
    %reduce_min3A_219 = vector.multi_reduction <minimumf>, %select_n3A_217, %reduce_min3A_218 [1] : vector<256x79xf32> to vector<256xf32>
    %broadcast_in_dim3A_220 = vector.shape_cast %reduce_min3A_219 : vector<256xf32> to vector<256x1xf32>
    %eq3A_221 = vector.broadcast %broadcast_in_dim3A_220 : vector<256x1xf32> to vector<256x79xf32>
    %eq3A_222 = arith.cmpf oeq, %select_n3A_217, %eq3A_221 : vector<256x79xf32>
    %jit3A_223 = arith.constant 7.900000e+01 : f32
    %broadcast_in_dim3A_224 = vector.broadcast %jit3A_223 : f32 to vector<256x79xf32>
    %select_n3A_225 = arith.select %eq3A_222, %convert_element_type3A, %broadcast_in_dim3A_224 : vector<256x79xi1>, vector<256x79xf32>
    %reduce_min3A_226 = arith.constant dense<0x7F800000> : vector<256xf32>
    %reduce_min3A_227 = vector.multi_reduction <minimumf>, %select_n3A_225, %reduce_min3A_226 [1] : vector<256x79xf32> to vector<256xf32>
    %broadcast_in_dim3A_228 = vector.shape_cast %reduce_min3A_227 : vector<256xf32> to vector<256x1xf32>
    %eq3A_229 = arith.constant 8 : i32
    %eq3A_230 = vector.broadcast %eq3A_229 : i32 to vector<256x16xi32>
    %eq3A_231 = arith.cmpi eq, %iota3A_39, %eq3A_230 : vector<256x16xi32>
    %broadcast_in_dim3A_232 = vector.shape_cast %broadcast_in_dim3A_228 : vector<256x1xf32> to vector<256x1xf32>
    %broadcast_in_dim3A_233 = vector.broadcast %broadcast_in_dim3A_232 : vector<256x1xf32> to vector<256x16xf32>
    %select_n3A_234 = arith.select %eq3A_231, %broadcast_in_dim3A_233, %select_n3A_212 : vector<256x16xi1>, vector<256x16xf32>
    %eq3A_235 = vector.broadcast %broadcast_in_dim3A_228 : vector<256x1xf32> to vector<256x79xf32>
    %eq3A_236 = arith.cmpf oeq, %convert_element_type3A, %eq3A_235 : vector<256x79xf32>
    %jit3A_237 = arith.constant 1.000000e+30 : f32
    %broadcast_in_dim3A_238 = vector.broadcast %jit3A_237 : f32 to vector<256x79xf32>
    %select_n3A_239 = arith.select %eq3A_236, %broadcast_in_dim3A_238, %select_n3A_217 : vector<256x79xi1>, vector<256x79xf32>
    %reduce_min3A_240 = arith.constant dense<0x7F800000> : vector<256xf32>
    %reduce_min3A_241 = vector.multi_reduction <minimumf>, %select_n3A_239, %reduce_min3A_240 [1] : vector<256x79xf32> to vector<256xf32>
    %broadcast_in_dim3A_242 = vector.shape_cast %reduce_min3A_241 : vector<256xf32> to vector<256x1xf32>
    %eq3A_243 = vector.broadcast %broadcast_in_dim3A_242 : vector<256x1xf32> to vector<256x79xf32>
    %eq3A_244 = arith.cmpf oeq, %select_n3A_239, %eq3A_243 : vector<256x79xf32>
    %jit3A_245 = arith.constant 7.900000e+01 : f32
    %broadcast_in_dim3A_246 = vector.broadcast %jit3A_245 : f32 to vector<256x79xf32>
    %select_n3A_247 = arith.select %eq3A_244, %convert_element_type3A, %broadcast_in_dim3A_246 : vector<256x79xi1>, vector<256x79xf32>
    %reduce_min3A_248 = arith.constant dense<0x7F800000> : vector<256xf32>
    %reduce_min3A_249 = vector.multi_reduction <minimumf>, %select_n3A_247, %reduce_min3A_248 [1] : vector<256x79xf32> to vector<256xf32>
    %broadcast_in_dim3A_250 = vector.shape_cast %reduce_min3A_249 : vector<256xf32> to vector<256x1xf32>
    %eq3A_251 = arith.constant 9 : i32
    %eq3A_252 = vector.broadcast %eq3A_251 : i32 to vector<256x16xi32>
    %eq3A_253 = arith.cmpi eq, %iota3A_39, %eq3A_252 : vector<256x16xi32>
    %broadcast_in_dim3A_254 = vector.shape_cast %broadcast_in_dim3A_250 : vector<256x1xf32> to vector<256x1xf32>
    %broadcast_in_dim3A_255 = vector.broadcast %broadcast_in_dim3A_254 : vector<256x1xf32> to vector<256x16xf32>
    %select_n3A_256 = arith.select %eq3A_253, %broadcast_in_dim3A_255, %select_n3A_234 : vector<256x16xi1>, vector<256x16xf32>
    %eq3A_257 = vector.broadcast %broadcast_in_dim3A_250 : vector<256x1xf32> to vector<256x79xf32>
    %eq3A_258 = arith.cmpf oeq, %convert_element_type3A, %eq3A_257 : vector<256x79xf32>
    %jit3A_259 = arith.constant 1.000000e+30 : f32
    %broadcast_in_dim3A_260 = vector.broadcast %jit3A_259 : f32 to vector<256x79xf32>
    %select_n3A_261 = arith.select %eq3A_258, %broadcast_in_dim3A_260, %select_n3A_239 : vector<256x79xi1>, vector<256x79xf32>
    %reduce_min3A_262 = arith.constant dense<0x7F800000> : vector<256xf32>
    %reduce_min3A_263 = vector.multi_reduction <minimumf>, %select_n3A_261, %reduce_min3A_262 [1] : vector<256x79xf32> to vector<256xf32>
    %broadcast_in_dim3A_264 = vector.shape_cast %reduce_min3A_263 : vector<256xf32> to vector<256x1xf32>
    %eq3A_265 = vector.broadcast %broadcast_in_dim3A_264 : vector<256x1xf32> to vector<256x79xf32>
    %eq3A_266 = arith.cmpf oeq, %select_n3A_261, %eq3A_265 : vector<256x79xf32>
    %jit3A_267 = arith.constant 7.900000e+01 : f32
    %broadcast_in_dim3A_268 = vector.broadcast %jit3A_267 : f32 to vector<256x79xf32>
    %select_n3A_269 = arith.select %eq3A_266, %convert_element_type3A, %broadcast_in_dim3A_268 : vector<256x79xi1>, vector<256x79xf32>
    %reduce_min3A_270 = arith.constant dense<0x7F800000> : vector<256xf32>
    %reduce_min3A_271 = vector.multi_reduction <minimumf>, %select_n3A_269, %reduce_min3A_270 [1] : vector<256x79xf32> to vector<256xf32>
    %broadcast_in_dim3A_272 = vector.shape_cast %reduce_min3A_271 : vector<256xf32> to vector<256x1xf32>
    %eq3A_273 = arith.constant 10 : i32
    %eq3A_274 = vector.broadcast %eq3A_273 : i32 to vector<256x16xi32>
    %eq3A_275 = arith.cmpi eq, %iota3A_39, %eq3A_274 : vector<256x16xi32>
    %broadcast_in_dim3A_276 = vector.shape_cast %broadcast_in_dim3A_272 : vector<256x1xf32> to vector<256x1xf32>
    %broadcast_in_dim3A_277 = vector.broadcast %broadcast_in_dim3A_276 : vector<256x1xf32> to vector<256x16xf32>
    %select_n3A_278 = arith.select %eq3A_275, %broadcast_in_dim3A_277, %select_n3A_256 : vector<256x16xi1>, vector<256x16xf32>
    %eq3A_279 = vector.broadcast %broadcast_in_dim3A_272 : vector<256x1xf32> to vector<256x79xf32>
    %eq3A_280 = arith.cmpf oeq, %convert_element_type3A, %eq3A_279 : vector<256x79xf32>
    %jit3A_281 = arith.constant 1.000000e+30 : f32
    %broadcast_in_dim3A_282 = vector.broadcast %jit3A_281 : f32 to vector<256x79xf32>
    %select_n3A_283 = arith.select %eq3A_280, %broadcast_in_dim3A_282, %select_n3A_261 : vector<256x79xi1>, vector<256x79xf32>
    %reduce_min3A_284 = arith.constant dense<0x7F800000> : vector<256xf32>
    %reduce_min3A_285 = vector.multi_reduction <minimumf>, %select_n3A_283, %reduce_min3A_284 [1] : vector<256x79xf32> to vector<256xf32>
    %broadcast_in_dim3A_286 = vector.shape_cast %reduce_min3A_285 : vector<256xf32> to vector<256x1xf32>
    %eq3A_287 = vector.broadcast %broadcast_in_dim3A_286 : vector<256x1xf32> to vector<256x79xf32>
    %eq3A_288 = arith.cmpf oeq, %select_n3A_283, %eq3A_287 : vector<256x79xf32>
    %jit3A_289 = arith.constant 7.900000e+01 : f32
    %broadcast_in_dim3A_290 = vector.broadcast %jit3A_289 : f32 to vector<256x79xf32>
    %select_n3A_291 = arith.select %eq3A_288, %convert_element_type3A, %broadcast_in_dim3A_290 : vector<256x79xi1>, vector<256x79xf32>
    %reduce_min3A_292 = arith.constant dense<0x7F800000> : vector<256xf32>
    %reduce_min3A_293 = vector.multi_reduction <minimumf>, %select_n3A_291, %reduce_min3A_292 [1] : vector<256x79xf32> to vector<256xf32>
    %broadcast_in_dim3A_294 = vector.shape_cast %reduce_min3A_293 : vector<256xf32> to vector<256x1xf32>
    %eq3A_295 = arith.constant 11 : i32
    %eq3A_296 = vector.broadcast %eq3A_295 : i32 to vector<256x16xi32>
    %eq3A_297 = arith.cmpi eq, %iota3A_39, %eq3A_296 : vector<256x16xi32>
    %broadcast_in_dim3A_298 = vector.shape_cast %broadcast_in_dim3A_294 : vector<256x1xf32> to vector<256x1xf32>
    %broadcast_in_dim3A_299 = vector.broadcast %broadcast_in_dim3A_298 : vector<256x1xf32> to vector<256x16xf32>
    %select_n3A_300 = arith.select %eq3A_297, %broadcast_in_dim3A_299, %select_n3A_278 : vector<256x16xi1>, vector<256x16xf32>
    %eq3A_301 = vector.broadcast %broadcast_in_dim3A_294 : vector<256x1xf32> to vector<256x79xf32>
    %eq3A_302 = arith.cmpf oeq, %convert_element_type3A, %eq3A_301 : vector<256x79xf32>
    %jit3A_303 = arith.constant 1.000000e+30 : f32
    %broadcast_in_dim3A_304 = vector.broadcast %jit3A_303 : f32 to vector<256x79xf32>
    %select_n3A_305 = arith.select %eq3A_302, %broadcast_in_dim3A_304, %select_n3A_283 : vector<256x79xi1>, vector<256x79xf32>
    %reduce_min3A_306 = arith.constant dense<0x7F800000> : vector<256xf32>
    %reduce_min3A_307 = vector.multi_reduction <minimumf>, %select_n3A_305, %reduce_min3A_306 [1] : vector<256x79xf32> to vector<256xf32>
    %broadcast_in_dim3A_308 = vector.shape_cast %reduce_min3A_307 : vector<256xf32> to vector<256x1xf32>
    %eq3A_309 = vector.broadcast %broadcast_in_dim3A_308 : vector<256x1xf32> to vector<256x79xf32>
    %eq3A_310 = arith.cmpf oeq, %select_n3A_305, %eq3A_309 : vector<256x79xf32>
    %jit3A_311 = arith.constant 7.900000e+01 : f32
    %broadcast_in_dim3A_312 = vector.broadcast %jit3A_311 : f32 to vector<256x79xf32>
    %select_n3A_313 = arith.select %eq3A_310, %convert_element_type3A, %broadcast_in_dim3A_312 : vector<256x79xi1>, vector<256x79xf32>
    %reduce_min3A_314 = arith.constant dense<0x7F800000> : vector<256xf32>
    %reduce_min3A_315 = vector.multi_reduction <minimumf>, %select_n3A_313, %reduce_min3A_314 [1] : vector<256x79xf32> to vector<256xf32>
    %broadcast_in_dim3A_316 = vector.shape_cast %reduce_min3A_315 : vector<256xf32> to vector<256x1xf32>
    %eq3A_317 = arith.constant 12 : i32
    %eq3A_318 = vector.broadcast %eq3A_317 : i32 to vector<256x16xi32>
    %eq3A_319 = arith.cmpi eq, %iota3A_39, %eq3A_318 : vector<256x16xi32>
    %broadcast_in_dim3A_320 = vector.shape_cast %broadcast_in_dim3A_316 : vector<256x1xf32> to vector<256x1xf32>
    %broadcast_in_dim3A_321 = vector.broadcast %broadcast_in_dim3A_320 : vector<256x1xf32> to vector<256x16xf32>
    %select_n3A_322 = arith.select %eq3A_319, %broadcast_in_dim3A_321, %select_n3A_300 : vector<256x16xi1>, vector<256x16xf32>
    %eq3A_323 = vector.broadcast %broadcast_in_dim3A_316 : vector<256x1xf32> to vector<256x79xf32>
    %eq3A_324 = arith.cmpf oeq, %convert_element_type3A, %eq3A_323 : vector<256x79xf32>
    %jit3A_325 = arith.constant 1.000000e+30 : f32
    %broadcast_in_dim3A_326 = vector.broadcast %jit3A_325 : f32 to vector<256x79xf32>
    %select_n3A_327 = arith.select %eq3A_324, %broadcast_in_dim3A_326, %select_n3A_305 : vector<256x79xi1>, vector<256x79xf32>
    %reduce_min3A_328 = arith.constant dense<0x7F800000> : vector<256xf32>
    %reduce_min3A_329 = vector.multi_reduction <minimumf>, %select_n3A_327, %reduce_min3A_328 [1] : vector<256x79xf32> to vector<256xf32>
    %broadcast_in_dim3A_330 = vector.shape_cast %reduce_min3A_329 : vector<256xf32> to vector<256x1xf32>
    %eq3A_331 = vector.broadcast %broadcast_in_dim3A_330 : vector<256x1xf32> to vector<256x79xf32>
    %eq3A_332 = arith.cmpf oeq, %select_n3A_327, %eq3A_331 : vector<256x79xf32>
    %jit3A_333 = arith.constant 7.900000e+01 : f32
    %broadcast_in_dim3A_334 = vector.broadcast %jit3A_333 : f32 to vector<256x79xf32>
    %select_n3A_335 = arith.select %eq3A_332, %convert_element_type3A, %broadcast_in_dim3A_334 : vector<256x79xi1>, vector<256x79xf32>
    %reduce_min3A_336 = arith.constant dense<0x7F800000> : vector<256xf32>
    %reduce_min3A_337 = vector.multi_reduction <minimumf>, %select_n3A_335, %reduce_min3A_336 [1] : vector<256x79xf32> to vector<256xf32>
    %broadcast_in_dim3A_338 = vector.shape_cast %reduce_min3A_337 : vector<256xf32> to vector<256x1xf32>
    %eq3A_339 = arith.constant 13 : i32
    %eq3A_340 = vector.broadcast %eq3A_339 : i32 to vector<256x16xi32>
    %eq3A_341 = arith.cmpi eq, %iota3A_39, %eq3A_340 : vector<256x16xi32>
    %broadcast_in_dim3A_342 = vector.shape_cast %broadcast_in_dim3A_338 : vector<256x1xf32> to vector<256x1xf32>
    %broadcast_in_dim3A_343 = vector.broadcast %broadcast_in_dim3A_342 : vector<256x1xf32> to vector<256x16xf32>
    %select_n3A_344 = arith.select %eq3A_341, %broadcast_in_dim3A_343, %select_n3A_322 : vector<256x16xi1>, vector<256x16xf32>
    %eq3A_345 = vector.broadcast %broadcast_in_dim3A_338 : vector<256x1xf32> to vector<256x79xf32>
    %eq3A_346 = arith.cmpf oeq, %convert_element_type3A, %eq3A_345 : vector<256x79xf32>
    %jit3A_347 = arith.constant 1.000000e+30 : f32
    %broadcast_in_dim3A_348 = vector.broadcast %jit3A_347 : f32 to vector<256x79xf32>
    %select_n3A_349 = arith.select %eq3A_346, %broadcast_in_dim3A_348, %select_n3A_327 : vector<256x79xi1>, vector<256x79xf32>
    %reduce_min3A_350 = arith.constant dense<0x7F800000> : vector<256xf32>
    %reduce_min3A_351 = vector.multi_reduction <minimumf>, %select_n3A_349, %reduce_min3A_350 [1] : vector<256x79xf32> to vector<256xf32>
    %broadcast_in_dim3A_352 = vector.shape_cast %reduce_min3A_351 : vector<256xf32> to vector<256x1xf32>
    %eq3A_353 = vector.broadcast %broadcast_in_dim3A_352 : vector<256x1xf32> to vector<256x79xf32>
    %eq3A_354 = arith.cmpf oeq, %select_n3A_349, %eq3A_353 : vector<256x79xf32>
    %jit3A_355 = arith.constant 7.900000e+01 : f32
    %broadcast_in_dim3A_356 = vector.broadcast %jit3A_355 : f32 to vector<256x79xf32>
    %select_n3A_357 = arith.select %eq3A_354, %convert_element_type3A, %broadcast_in_dim3A_356 : vector<256x79xi1>, vector<256x79xf32>
    %reduce_min3A_358 = arith.constant dense<0x7F800000> : vector<256xf32>
    %reduce_min3A_359 = vector.multi_reduction <minimumf>, %select_n3A_357, %reduce_min3A_358 [1] : vector<256x79xf32> to vector<256xf32>
    %broadcast_in_dim3A_360 = vector.shape_cast %reduce_min3A_359 : vector<256xf32> to vector<256x1xf32>
    %eq3A_361 = arith.constant 14 : i32
    %eq3A_362 = vector.broadcast %eq3A_361 : i32 to vector<256x16xi32>
    %eq3A_363 = arith.cmpi eq, %iota3A_39, %eq3A_362 : vector<256x16xi32>
    %broadcast_in_dim3A_364 = vector.shape_cast %broadcast_in_dim3A_360 : vector<256x1xf32> to vector<256x1xf32>
    %broadcast_in_dim3A_365 = vector.broadcast %broadcast_in_dim3A_364 : vector<256x1xf32> to vector<256x16xf32>
    %select_n3A_366 = arith.select %eq3A_363, %broadcast_in_dim3A_365, %select_n3A_344 : vector<256x16xi1>, vector<256x16xf32>
    %eq3A_367 = vector.broadcast %broadcast_in_dim3A_360 : vector<256x1xf32> to vector<256x79xf32>
    %eq3A_368 = arith.cmpf oeq, %convert_element_type3A, %eq3A_367 : vector<256x79xf32>
    %jit3A_369 = arith.constant 1.000000e+30 : f32
    %broadcast_in_dim3A_370 = vector.broadcast %jit3A_369 : f32 to vector<256x79xf32>
    %select_n3A_371 = arith.select %eq3A_368, %broadcast_in_dim3A_370, %select_n3A_349 : vector<256x79xi1>, vector<256x79xf32>
    %reduce_min3A_372 = arith.constant dense<0x7F800000> : vector<256xf32>
    %reduce_min3A_373 = vector.multi_reduction <minimumf>, %select_n3A_371, %reduce_min3A_372 [1] : vector<256x79xf32> to vector<256xf32>
    %broadcast_in_dim3A_374 = vector.shape_cast %reduce_min3A_373 : vector<256xf32> to vector<256x1xf32>
    %eq3A_375 = vector.broadcast %broadcast_in_dim3A_374 : vector<256x1xf32> to vector<256x79xf32>
    %eq3A_376 = arith.cmpf oeq, %select_n3A_371, %eq3A_375 : vector<256x79xf32>
    %jit3A_377 = arith.constant 7.900000e+01 : f32
    %broadcast_in_dim3A_378 = vector.broadcast %jit3A_377 : f32 to vector<256x79xf32>
    %select_n3A_379 = arith.select %eq3A_376, %convert_element_type3A, %broadcast_in_dim3A_378 : vector<256x79xi1>, vector<256x79xf32>
    %reduce_min3A_380 = arith.constant dense<0x7F800000> : vector<256xf32>
    %reduce_min3A_381 = vector.multi_reduction <minimumf>, %select_n3A_379, %reduce_min3A_380 [1] : vector<256x79xf32> to vector<256xf32>
    %broadcast_in_dim3A_382 = vector.shape_cast %reduce_min3A_381 : vector<256xf32> to vector<256x1xf32>
    %eq3A_383 = arith.constant 15 : i32
    %eq3A_384 = vector.broadcast %eq3A_383 : i32 to vector<256x16xi32>
    %eq3A_385 = arith.cmpi eq, %iota3A_39, %eq3A_384 : vector<256x16xi32>
    %broadcast_in_dim3A_386 = vector.shape_cast %broadcast_in_dim3A_382 : vector<256x1xf32> to vector<256x1xf32>
    %broadcast_in_dim3A_387 = vector.broadcast %broadcast_in_dim3A_386 : vector<256x1xf32> to vector<256x16xf32>
    %select_n3A_388 = arith.select %eq3A_385, %broadcast_in_dim3A_387, %select_n3A_366 : vector<256x16xi1>, vector<256x16xf32>
    %iota3A_389 = tpu.iota {dimensions = array<i32: 2>} : vector<256x16x79xi32>
    %convert_element_type3A_390 = arith.sitofp %iota3A_389 : vector<256x16x79xi32> to vector<256x16x79xf32>
    %broadcast_in_dim3A_391 = vector.shape_cast %select_n3A_388 : vector<256x16xf32> to vector<256x16x1xf32>
    %eq3A_392 = vector.broadcast %broadcast_in_dim3A_391 : vector<256x16x1xf32> to vector<256x16x79xf32>
    %eq3A_393 = arith.cmpf oeq, %eq3A_392, %convert_element_type3A_390 : vector<256x16x79xf32>
    %convert_element_type3A_394 = arith.extui %eq3A_393 : vector<256x16x79xi1> to vector<256x16x79xi32>
    %convert_element_type3A_395 = arith.sitofp %convert_element_type3A_394 : vector<256x16x79xi32> to vector<256x16x79xf32>
    %dot_general3A_396 = arith.constant dense<0.000000e+00> : vector<256x16x128xf32>
    %dot_general3A_397 = tpu.matmul %convert_element_type3A_395, %reshape3A, %dot_general3A_396 {dimension_numbers = #tpu.dot_dimension_numbers<[2], [1], [1], [2], [0, 0, 0, 1, 1, 2], [0], [0]>, precision = #tpu.contract_precision<fp32>, transpose_lhs_hint = false} : vector<256x16x79xf32>, vector<256x79x128xf32>, vector<256x16x128xf32> -> vector<256x16x128xf32>
    %broadcast_in_dim3A_398 = vector.shape_cast %select_n3A_388 : vector<256x16xf32> to vector<256x16x1xf32>
    %mul3A_399 = arith.constant 1.280000e+02 : f32
    %mul3A_400 = vector.broadcast %mul3A_399 : f32 to vector<256x16x1xf32>
    %mul3A_401 = arith.mulf %broadcast_in_dim3A_398, %mul3A_400 : vector<256x16x1xf32>
    %iota3A_402 = tpu.iota {dimensions = array<i32: 2>} : vector<256x16x128xi32>
    %convert_element_type3A_403 = arith.sitofp %iota3A_402 : vector<256x16x128xi32> to vector<256x16x128xf32>
    %add3A_404 = vector.broadcast %mul3A_401 : vector<256x16x1xf32> to vector<256x16x128xf32>
    %add3A_405 = arith.addf %add3A_404, %convert_element_type3A_403 : vector<256x16x128xf32>
    %reshape3A_406 = vector.shape_cast %dot_general3A_397 : vector<256x16x128xf32> to vector<256x2048xf32>
    %reshape3A_407 = vector.shape_cast %add3A_405 : vector<256x16x128xf32> to vector<256x2048xf32>
    %broadcast_in_dim3A_408 = arith.constant 0.000000e+00 : f32
    %broadcast_in_dim3A_409 = vector.broadcast %broadcast_in_dim3A_408 : f32 to vector<256x16xf32>
    %reduce_min3A_410 = arith.constant dense<0x7F800000> : vector<256xf32>
    %reduce_min3A_411 = vector.multi_reduction <minimumf>, %reshape3A_406, %reduce_min3A_410 [1] : vector<256x2048xf32> to vector<256xf32>
    %broadcast_in_dim3A_412 = vector.shape_cast %reduce_min3A_411 : vector<256xf32> to vector<256x1xf32>
    %eq3A_413 = vector.broadcast %broadcast_in_dim3A_412 : vector<256x1xf32> to vector<256x2048xf32>
    %eq3A_414 = arith.cmpf oeq, %reshape3A_406, %eq3A_413 : vector<256x2048xf32>
    %jit3A_415 = arith.constant 1.011200e+04 : f32
    %broadcast_in_dim3A_416 = vector.broadcast %jit3A_415 : f32 to vector<256x2048xf32>
    %select_n3A_417 = arith.select %eq3A_414, %reshape3A_407, %broadcast_in_dim3A_416 : vector<256x2048xi1>, vector<256x2048xf32>
    %reduce_min3A_418 = arith.constant dense<0x7F800000> : vector<256xf32>
    %reduce_min3A_419 = vector.multi_reduction <minimumf>, %select_n3A_417, %reduce_min3A_418 [1] : vector<256x2048xf32> to vector<256xf32>
    %broadcast_in_dim3A_420 = vector.shape_cast %reduce_min3A_419 : vector<256xf32> to vector<256x1xf32>
    %eq3A_421 = arith.constant 0 : i32
    %eq3A_422 = vector.broadcast %eq3A_421 : i32 to vector<256x16xi32>
    %eq3A_423 = arith.cmpi eq, %iota3A_39, %eq3A_422 : vector<256x16xi32>
    %broadcast_in_dim3A_424 = vector.shape_cast %broadcast_in_dim3A_420 : vector<256x1xf32> to vector<256x1xf32>
    %broadcast_in_dim3A_425 = vector.broadcast %broadcast_in_dim3A_424 : vector<256x1xf32> to vector<256x16xf32>
    %select_n3A_426 = arith.select %eq3A_423, %broadcast_in_dim3A_425, %broadcast_in_dim3A_409 : vector<256x16xi1>, vector<256x16xf32>
    %eq3A_427 = vector.broadcast %broadcast_in_dim3A_420 : vector<256x1xf32> to vector<256x2048xf32>
    %eq3A_428 = arith.cmpf oeq, %reshape3A_407, %eq3A_427 : vector<256x2048xf32>
    %jit3A_429 = arith.constant 1.000000e+30 : f32
    %broadcast_in_dim3A_430 = vector.broadcast %jit3A_429 : f32 to vector<256x2048xf32>
    %select_n3A_431 = arith.select %eq3A_428, %broadcast_in_dim3A_430, %reshape3A_406 : vector<256x2048xi1>, vector<256x2048xf32>
    %reduce_min3A_432 = arith.constant dense<0x7F800000> : vector<256xf32>
    %reduce_min3A_433 = vector.multi_reduction <minimumf>, %select_n3A_431, %reduce_min3A_432 [1] : vector<256x2048xf32> to vector<256xf32>
    %broadcast_in_dim3A_434 = vector.shape_cast %reduce_min3A_433 : vector<256xf32> to vector<256x1xf32>
    %eq3A_435 = vector.broadcast %broadcast_in_dim3A_434 : vector<256x1xf32> to vector<256x2048xf32>
    %eq3A_436 = arith.cmpf oeq, %select_n3A_431, %eq3A_435 : vector<256x2048xf32>
    %jit3A_437 = arith.constant 1.011200e+04 : f32
    %broadcast_in_dim3A_438 = vector.broadcast %jit3A_437 : f32 to vector<256x2048xf32>
    %select_n3A_439 = arith.select %eq3A_436, %reshape3A_407, %broadcast_in_dim3A_438 : vector<256x2048xi1>, vector<256x2048xf32>
    %reduce_min3A_440 = arith.constant dense<0x7F800000> : vector<256xf32>
    %reduce_min3A_441 = vector.multi_reduction <minimumf>, %select_n3A_439, %reduce_min3A_440 [1] : vector<256x2048xf32> to vector<256xf32>
    %broadcast_in_dim3A_442 = vector.shape_cast %reduce_min3A_441 : vector<256xf32> to vector<256x1xf32>
    %eq3A_443 = arith.constant 1 : i32
    %eq3A_444 = vector.broadcast %eq3A_443 : i32 to vector<256x16xi32>
    %eq3A_445 = arith.cmpi eq, %iota3A_39, %eq3A_444 : vector<256x16xi32>
    %broadcast_in_dim3A_446 = vector.shape_cast %broadcast_in_dim3A_442 : vector<256x1xf32> to vector<256x1xf32>
    %broadcast_in_dim3A_447 = vector.broadcast %broadcast_in_dim3A_446 : vector<256x1xf32> to vector<256x16xf32>
    %select_n3A_448 = arith.select %eq3A_445, %broadcast_in_dim3A_447, %select_n3A_426 : vector<256x16xi1>, vector<256x16xf32>
    %eq3A_449 = vector.broadcast %broadcast_in_dim3A_442 : vector<256x1xf32> to vector<256x2048xf32>
    %eq3A_450 = arith.cmpf oeq, %reshape3A_407, %eq3A_449 : vector<256x2048xf32>
    %jit3A_451 = arith.constant 1.000000e+30 : f32
    %broadcast_in_dim3A_452 = vector.broadcast %jit3A_451 : f32 to vector<256x2048xf32>
    %select_n3A_453 = arith.select %eq3A_450, %broadcast_in_dim3A_452, %select_n3A_431 : vector<256x2048xi1>, vector<256x2048xf32>
    %reduce_min3A_454 = arith.constant dense<0x7F800000> : vector<256xf32>
    %reduce_min3A_455 = vector.multi_reduction <minimumf>, %select_n3A_453, %reduce_min3A_454 [1] : vector<256x2048xf32> to vector<256xf32>
    %broadcast_in_dim3A_456 = vector.shape_cast %reduce_min3A_455 : vector<256xf32> to vector<256x1xf32>
    %eq3A_457 = vector.broadcast %broadcast_in_dim3A_456 : vector<256x1xf32> to vector<256x2048xf32>
    %eq3A_458 = arith.cmpf oeq, %select_n3A_453, %eq3A_457 : vector<256x2048xf32>
    %jit3A_459 = arith.constant 1.011200e+04 : f32
    %broadcast_in_dim3A_460 = vector.broadcast %jit3A_459 : f32 to vector<256x2048xf32>
    %select_n3A_461 = arith.select %eq3A_458, %reshape3A_407, %broadcast_in_dim3A_460 : vector<256x2048xi1>, vector<256x2048xf32>
    %reduce_min3A_462 = arith.constant dense<0x7F800000> : vector<256xf32>
    %reduce_min3A_463 = vector.multi_reduction <minimumf>, %select_n3A_461, %reduce_min3A_462 [1] : vector<256x2048xf32> to vector<256xf32>
    %broadcast_in_dim3A_464 = vector.shape_cast %reduce_min3A_463 : vector<256xf32> to vector<256x1xf32>
    %eq3A_465 = arith.constant 2 : i32
    %eq3A_466 = vector.broadcast %eq3A_465 : i32 to vector<256x16xi32>
    %eq3A_467 = arith.cmpi eq, %iota3A_39, %eq3A_466 : vector<256x16xi32>
    %broadcast_in_dim3A_468 = vector.shape_cast %broadcast_in_dim3A_464 : vector<256x1xf32> to vector<256x1xf32>
    %broadcast_in_dim3A_469 = vector.broadcast %broadcast_in_dim3A_468 : vector<256x1xf32> to vector<256x16xf32>
    %select_n3A_470 = arith.select %eq3A_467, %broadcast_in_dim3A_469, %select_n3A_448 : vector<256x16xi1>, vector<256x16xf32>
    %eq3A_471 = vector.broadcast %broadcast_in_dim3A_464 : vector<256x1xf32> to vector<256x2048xf32>
    %eq3A_472 = arith.cmpf oeq, %reshape3A_407, %eq3A_471 : vector<256x2048xf32>
    %jit3A_473 = arith.constant 1.000000e+30 : f32
    %broadcast_in_dim3A_474 = vector.broadcast %jit3A_473 : f32 to vector<256x2048xf32>
    %select_n3A_475 = arith.select %eq3A_472, %broadcast_in_dim3A_474, %select_n3A_453 : vector<256x2048xi1>, vector<256x2048xf32>
    %reduce_min3A_476 = arith.constant dense<0x7F800000> : vector<256xf32>
    %reduce_min3A_477 = vector.multi_reduction <minimumf>, %select_n3A_475, %reduce_min3A_476 [1] : vector<256x2048xf32> to vector<256xf32>
    %broadcast_in_dim3A_478 = vector.shape_cast %reduce_min3A_477 : vector<256xf32> to vector<256x1xf32>
    %eq3A_479 = vector.broadcast %broadcast_in_dim3A_478 : vector<256x1xf32> to vector<256x2048xf32>
    %eq3A_480 = arith.cmpf oeq, %select_n3A_475, %eq3A_479 : vector<256x2048xf32>
    %jit3A_481 = arith.constant 1.011200e+04 : f32
    %broadcast_in_dim3A_482 = vector.broadcast %jit3A_481 : f32 to vector<256x2048xf32>
    %select_n3A_483 = arith.select %eq3A_480, %reshape3A_407, %broadcast_in_dim3A_482 : vector<256x2048xi1>, vector<256x2048xf32>
    %reduce_min3A_484 = arith.constant dense<0x7F800000> : vector<256xf32>
    %reduce_min3A_485 = vector.multi_reduction <minimumf>, %select_n3A_483, %reduce_min3A_484 [1] : vector<256x2048xf32> to vector<256xf32>
    %broadcast_in_dim3A_486 = vector.shape_cast %reduce_min3A_485 : vector<256xf32> to vector<256x1xf32>
    %eq3A_487 = arith.constant 3 : i32
    %eq3A_488 = vector.broadcast %eq3A_487 : i32 to vector<256x16xi32>
    %eq3A_489 = arith.cmpi eq, %iota3A_39, %eq3A_488 : vector<256x16xi32>
    %broadcast_in_dim3A_490 = vector.shape_cast %broadcast_in_dim3A_486 : vector<256x1xf32> to vector<256x1xf32>
    %broadcast_in_dim3A_491 = vector.broadcast %broadcast_in_dim3A_490 : vector<256x1xf32> to vector<256x16xf32>
    %select_n3A_492 = arith.select %eq3A_489, %broadcast_in_dim3A_491, %select_n3A_470 : vector<256x16xi1>, vector<256x16xf32>
    %eq3A_493 = vector.broadcast %broadcast_in_dim3A_486 : vector<256x1xf32> to vector<256x2048xf32>
    %eq3A_494 = arith.cmpf oeq, %reshape3A_407, %eq3A_493 : vector<256x2048xf32>
    %jit3A_495 = arith.constant 1.000000e+30 : f32
    %broadcast_in_dim3A_496 = vector.broadcast %jit3A_495 : f32 to vector<256x2048xf32>
    %select_n3A_497 = arith.select %eq3A_494, %broadcast_in_dim3A_496, %select_n3A_475 : vector<256x2048xi1>, vector<256x2048xf32>
    %reduce_min3A_498 = arith.constant dense<0x7F800000> : vector<256xf32>
    %reduce_min3A_499 = vector.multi_reduction <minimumf>, %select_n3A_497, %reduce_min3A_498 [1] : vector<256x2048xf32> to vector<256xf32>
    %broadcast_in_dim3A_500 = vector.shape_cast %reduce_min3A_499 : vector<256xf32> to vector<256x1xf32>
    %eq3A_501 = vector.broadcast %broadcast_in_dim3A_500 : vector<256x1xf32> to vector<256x2048xf32>
    %eq3A_502 = arith.cmpf oeq, %select_n3A_497, %eq3A_501 : vector<256x2048xf32>
    %jit3A_503 = arith.constant 1.011200e+04 : f32
    %broadcast_in_dim3A_504 = vector.broadcast %jit3A_503 : f32 to vector<256x2048xf32>
    %select_n3A_505 = arith.select %eq3A_502, %reshape3A_407, %broadcast_in_dim3A_504 : vector<256x2048xi1>, vector<256x2048xf32>
    %reduce_min3A_506 = arith.constant dense<0x7F800000> : vector<256xf32>
    %reduce_min3A_507 = vector.multi_reduction <minimumf>, %select_n3A_505, %reduce_min3A_506 [1] : vector<256x2048xf32> to vector<256xf32>
    %broadcast_in_dim3A_508 = vector.shape_cast %reduce_min3A_507 : vector<256xf32> to vector<256x1xf32>
    %eq3A_509 = arith.constant 4 : i32
    %eq3A_510 = vector.broadcast %eq3A_509 : i32 to vector<256x16xi32>
    %eq3A_511 = arith.cmpi eq, %iota3A_39, %eq3A_510 : vector<256x16xi32>
    %broadcast_in_dim3A_512 = vector.shape_cast %broadcast_in_dim3A_508 : vector<256x1xf32> to vector<256x1xf32>
    %broadcast_in_dim3A_513 = vector.broadcast %broadcast_in_dim3A_512 : vector<256x1xf32> to vector<256x16xf32>
    %select_n3A_514 = arith.select %eq3A_511, %broadcast_in_dim3A_513, %select_n3A_492 : vector<256x16xi1>, vector<256x16xf32>
    %eq3A_515 = vector.broadcast %broadcast_in_dim3A_508 : vector<256x1xf32> to vector<256x2048xf32>
    %eq3A_516 = arith.cmpf oeq, %reshape3A_407, %eq3A_515 : vector<256x2048xf32>
    %jit3A_517 = arith.constant 1.000000e+30 : f32
    %broadcast_in_dim3A_518 = vector.broadcast %jit3A_517 : f32 to vector<256x2048xf32>
    %select_n3A_519 = arith.select %eq3A_516, %broadcast_in_dim3A_518, %select_n3A_497 : vector<256x2048xi1>, vector<256x2048xf32>
    %reduce_min3A_520 = arith.constant dense<0x7F800000> : vector<256xf32>
    %reduce_min3A_521 = vector.multi_reduction <minimumf>, %select_n3A_519, %reduce_min3A_520 [1] : vector<256x2048xf32> to vector<256xf32>
    %broadcast_in_dim3A_522 = vector.shape_cast %reduce_min3A_521 : vector<256xf32> to vector<256x1xf32>
    %eq3A_523 = vector.broadcast %broadcast_in_dim3A_522 : vector<256x1xf32> to vector<256x2048xf32>
    %eq3A_524 = arith.cmpf oeq, %select_n3A_519, %eq3A_523 : vector<256x2048xf32>
    %jit3A_525 = arith.constant 1.011200e+04 : f32
    %broadcast_in_dim3A_526 = vector.broadcast %jit3A_525 : f32 to vector<256x2048xf32>
    %select_n3A_527 = arith.select %eq3A_524, %reshape3A_407, %broadcast_in_dim3A_526 : vector<256x2048xi1>, vector<256x2048xf32>
    %reduce_min3A_528 = arith.constant dense<0x7F800000> : vector<256xf32>
    %reduce_min3A_529 = vector.multi_reduction <minimumf>, %select_n3A_527, %reduce_min3A_528 [1] : vector<256x2048xf32> to vector<256xf32>
    %broadcast_in_dim3A_530 = vector.shape_cast %reduce_min3A_529 : vector<256xf32> to vector<256x1xf32>
    %eq3A_531 = arith.constant 5 : i32
    %eq3A_532 = vector.broadcast %eq3A_531 : i32 to vector<256x16xi32>
    %eq3A_533 = arith.cmpi eq, %iota3A_39, %eq3A_532 : vector<256x16xi32>
    %broadcast_in_dim3A_534 = vector.shape_cast %broadcast_in_dim3A_530 : vector<256x1xf32> to vector<256x1xf32>
    %broadcast_in_dim3A_535 = vector.broadcast %broadcast_in_dim3A_534 : vector<256x1xf32> to vector<256x16xf32>
    %select_n3A_536 = arith.select %eq3A_533, %broadcast_in_dim3A_535, %select_n3A_514 : vector<256x16xi1>, vector<256x16xf32>
    %eq3A_537 = vector.broadcast %broadcast_in_dim3A_530 : vector<256x1xf32> to vector<256x2048xf32>
    %eq3A_538 = arith.cmpf oeq, %reshape3A_407, %eq3A_537 : vector<256x2048xf32>
    %jit3A_539 = arith.constant 1.000000e+30 : f32
    %broadcast_in_dim3A_540 = vector.broadcast %jit3A_539 : f32 to vector<256x2048xf32>
    %select_n3A_541 = arith.select %eq3A_538, %broadcast_in_dim3A_540, %select_n3A_519 : vector<256x2048xi1>, vector<256x2048xf32>
    %reduce_min3A_542 = arith.constant dense<0x7F800000> : vector<256xf32>
    %reduce_min3A_543 = vector.multi_reduction <minimumf>, %select_n3A_541, %reduce_min3A_542 [1] : vector<256x2048xf32> to vector<256xf32>
    %broadcast_in_dim3A_544 = vector.shape_cast %reduce_min3A_543 : vector<256xf32> to vector<256x1xf32>
    %eq3A_545 = vector.broadcast %broadcast_in_dim3A_544 : vector<256x1xf32> to vector<256x2048xf32>
    %eq3A_546 = arith.cmpf oeq, %select_n3A_541, %eq3A_545 : vector<256x2048xf32>
    %jit3A_547 = arith.constant 1.011200e+04 : f32
    %broadcast_in_dim3A_548 = vector.broadcast %jit3A_547 : f32 to vector<256x2048xf32>
    %select_n3A_549 = arith.select %eq3A_546, %reshape3A_407, %broadcast_in_dim3A_548 : vector<256x2048xi1>, vector<256x2048xf32>
    %reduce_min3A_550 = arith.constant dense<0x7F800000> : vector<256xf32>
    %reduce_min3A_551 = vector.multi_reduction <minimumf>, %select_n3A_549, %reduce_min3A_550 [1] : vector<256x2048xf32> to vector<256xf32>
    %broadcast_in_dim3A_552 = vector.shape_cast %reduce_min3A_551 : vector<256xf32> to vector<256x1xf32>
    %eq3A_553 = arith.constant 6 : i32
    %eq3A_554 = vector.broadcast %eq3A_553 : i32 to vector<256x16xi32>
    %eq3A_555 = arith.cmpi eq, %iota3A_39, %eq3A_554 : vector<256x16xi32>
    %broadcast_in_dim3A_556 = vector.shape_cast %broadcast_in_dim3A_552 : vector<256x1xf32> to vector<256x1xf32>
    %broadcast_in_dim3A_557 = vector.broadcast %broadcast_in_dim3A_556 : vector<256x1xf32> to vector<256x16xf32>
    %select_n3A_558 = arith.select %eq3A_555, %broadcast_in_dim3A_557, %select_n3A_536 : vector<256x16xi1>, vector<256x16xf32>
    %eq3A_559 = vector.broadcast %broadcast_in_dim3A_552 : vector<256x1xf32> to vector<256x2048xf32>
    %eq3A_560 = arith.cmpf oeq, %reshape3A_407, %eq3A_559 : vector<256x2048xf32>
    %jit3A_561 = arith.constant 1.000000e+30 : f32
    %broadcast_in_dim3A_562 = vector.broadcast %jit3A_561 : f32 to vector<256x2048xf32>
    %select_n3A_563 = arith.select %eq3A_560, %broadcast_in_dim3A_562, %select_n3A_541 : vector<256x2048xi1>, vector<256x2048xf32>
    %reduce_min3A_564 = arith.constant dense<0x7F800000> : vector<256xf32>
    %reduce_min3A_565 = vector.multi_reduction <minimumf>, %select_n3A_563, %reduce_min3A_564 [1] : vector<256x2048xf32> to vector<256xf32>
    %broadcast_in_dim3A_566 = vector.shape_cast %reduce_min3A_565 : vector<256xf32> to vector<256x1xf32>
    %eq3A_567 = vector.broadcast %broadcast_in_dim3A_566 : vector<256x1xf32> to vector<256x2048xf32>
    %eq3A_568 = arith.cmpf oeq, %select_n3A_563, %eq3A_567 : vector<256x2048xf32>
    %jit3A_569 = arith.constant 1.011200e+04 : f32
    %broadcast_in_dim3A_570 = vector.broadcast %jit3A_569 : f32 to vector<256x2048xf32>
    %select_n3A_571 = arith.select %eq3A_568, %reshape3A_407, %broadcast_in_dim3A_570 : vector<256x2048xi1>, vector<256x2048xf32>
    %reduce_min3A_572 = arith.constant dense<0x7F800000> : vector<256xf32>
    %reduce_min3A_573 = vector.multi_reduction <minimumf>, %select_n3A_571, %reduce_min3A_572 [1] : vector<256x2048xf32> to vector<256xf32>
    %broadcast_in_dim3A_574 = vector.shape_cast %reduce_min3A_573 : vector<256xf32> to vector<256x1xf32>
    %eq3A_575 = arith.constant 7 : i32
    %eq3A_576 = vector.broadcast %eq3A_575 : i32 to vector<256x16xi32>
    %eq3A_577 = arith.cmpi eq, %iota3A_39, %eq3A_576 : vector<256x16xi32>
    %broadcast_in_dim3A_578 = vector.shape_cast %broadcast_in_dim3A_574 : vector<256x1xf32> to vector<256x1xf32>
    %broadcast_in_dim3A_579 = vector.broadcast %broadcast_in_dim3A_578 : vector<256x1xf32> to vector<256x16xf32>
    %select_n3A_580 = arith.select %eq3A_577, %broadcast_in_dim3A_579, %select_n3A_558 : vector<256x16xi1>, vector<256x16xf32>
    %eq3A_581 = vector.broadcast %broadcast_in_dim3A_574 : vector<256x1xf32> to vector<256x2048xf32>
    %eq3A_582 = arith.cmpf oeq, %reshape3A_407, %eq3A_581 : vector<256x2048xf32>
    %jit3A_583 = arith.constant 1.000000e+30 : f32
    %broadcast_in_dim3A_584 = vector.broadcast %jit3A_583 : f32 to vector<256x2048xf32>
    %select_n3A_585 = arith.select %eq3A_582, %broadcast_in_dim3A_584, %select_n3A_563 : vector<256x2048xi1>, vector<256x2048xf32>
    %reduce_min3A_586 = arith.constant dense<0x7F800000> : vector<256xf32>
    %reduce_min3A_587 = vector.multi_reduction <minimumf>, %select_n3A_585, %reduce_min3A_586 [1] : vector<256x2048xf32> to vector<256xf32>
    %broadcast_in_dim3A_588 = vector.shape_cast %reduce_min3A_587 : vector<256xf32> to vector<256x1xf32>
    %eq3A_589 = vector.broadcast %broadcast_in_dim3A_588 : vector<256x1xf32> to vector<256x2048xf32>
    %eq3A_590 = arith.cmpf oeq, %select_n3A_585, %eq3A_589 : vector<256x2048xf32>
    %jit3A_591 = arith.constant 1.011200e+04 : f32
    %broadcast_in_dim3A_592 = vector.broadcast %jit3A_591 : f32 to vector<256x2048xf32>
    %select_n3A_593 = arith.select %eq3A_590, %reshape3A_407, %broadcast_in_dim3A_592 : vector<256x2048xi1>, vector<256x2048xf32>
    %reduce_min3A_594 = arith.constant dense<0x7F800000> : vector<256xf32>
    %reduce_min3A_595 = vector.multi_reduction <minimumf>, %select_n3A_593, %reduce_min3A_594 [1] : vector<256x2048xf32> to vector<256xf32>
    %broadcast_in_dim3A_596 = vector.shape_cast %reduce_min3A_595 : vector<256xf32> to vector<256x1xf32>
    %eq3A_597 = arith.constant 8 : i32
    %eq3A_598 = vector.broadcast %eq3A_597 : i32 to vector<256x16xi32>
    %eq3A_599 = arith.cmpi eq, %iota3A_39, %eq3A_598 : vector<256x16xi32>
    %broadcast_in_dim3A_600 = vector.shape_cast %broadcast_in_dim3A_596 : vector<256x1xf32> to vector<256x1xf32>
    %broadcast_in_dim3A_601 = vector.broadcast %broadcast_in_dim3A_600 : vector<256x1xf32> to vector<256x16xf32>
    %select_n3A_602 = arith.select %eq3A_599, %broadcast_in_dim3A_601, %select_n3A_580 : vector<256x16xi1>, vector<256x16xf32>
    %eq3A_603 = vector.broadcast %broadcast_in_dim3A_596 : vector<256x1xf32> to vector<256x2048xf32>
    %eq3A_604 = arith.cmpf oeq, %reshape3A_407, %eq3A_603 : vector<256x2048xf32>
    %jit3A_605 = arith.constant 1.000000e+30 : f32
    %broadcast_in_dim3A_606 = vector.broadcast %jit3A_605 : f32 to vector<256x2048xf32>
    %select_n3A_607 = arith.select %eq3A_604, %broadcast_in_dim3A_606, %select_n3A_585 : vector<256x2048xi1>, vector<256x2048xf32>
    %reduce_min3A_608 = arith.constant dense<0x7F800000> : vector<256xf32>
    %reduce_min3A_609 = vector.multi_reduction <minimumf>, %select_n3A_607, %reduce_min3A_608 [1] : vector<256x2048xf32> to vector<256xf32>
    %broadcast_in_dim3A_610 = vector.shape_cast %reduce_min3A_609 : vector<256xf32> to vector<256x1xf32>
    %eq3A_611 = vector.broadcast %broadcast_in_dim3A_610 : vector<256x1xf32> to vector<256x2048xf32>
    %eq3A_612 = arith.cmpf oeq, %select_n3A_607, %eq3A_611 : vector<256x2048xf32>
    %jit3A_613 = arith.constant 1.011200e+04 : f32
    %broadcast_in_dim3A_614 = vector.broadcast %jit3A_613 : f32 to vector<256x2048xf32>
    %select_n3A_615 = arith.select %eq3A_612, %reshape3A_407, %broadcast_in_dim3A_614 : vector<256x2048xi1>, vector<256x2048xf32>
    %reduce_min3A_616 = arith.constant dense<0x7F800000> : vector<256xf32>
    %reduce_min3A_617 = vector.multi_reduction <minimumf>, %select_n3A_615, %reduce_min3A_616 [1] : vector<256x2048xf32> to vector<256xf32>
    %broadcast_in_dim3A_618 = vector.shape_cast %reduce_min3A_617 : vector<256xf32> to vector<256x1xf32>
    %eq3A_619 = arith.constant 9 : i32
    %eq3A_620 = vector.broadcast %eq3A_619 : i32 to vector<256x16xi32>
    %eq3A_621 = arith.cmpi eq, %iota3A_39, %eq3A_620 : vector<256x16xi32>
    %broadcast_in_dim3A_622 = vector.shape_cast %broadcast_in_dim3A_618 : vector<256x1xf32> to vector<256x1xf32>
    %broadcast_in_dim3A_623 = vector.broadcast %broadcast_in_dim3A_622 : vector<256x1xf32> to vector<256x16xf32>
    %select_n3A_624 = arith.select %eq3A_621, %broadcast_in_dim3A_623, %select_n3A_602 : vector<256x16xi1>, vector<256x16xf32>
    %eq3A_625 = vector.broadcast %broadcast_in_dim3A_618 : vector<256x1xf32> to vector<256x2048xf32>
    %eq3A_626 = arith.cmpf oeq, %reshape3A_407, %eq3A_625 : vector<256x2048xf32>
    %jit3A_627 = arith.constant 1.000000e+30 : f32
    %broadcast_in_dim3A_628 = vector.broadcast %jit3A_627 : f32 to vector<256x2048xf32>
    %select_n3A_629 = arith.select %eq3A_626, %broadcast_in_dim3A_628, %select_n3A_607 : vector<256x2048xi1>, vector<256x2048xf32>
    %reduce_min3A_630 = arith.constant dense<0x7F800000> : vector<256xf32>
    %reduce_min3A_631 = vector.multi_reduction <minimumf>, %select_n3A_629, %reduce_min3A_630 [1] : vector<256x2048xf32> to vector<256xf32>
    %broadcast_in_dim3A_632 = vector.shape_cast %reduce_min3A_631 : vector<256xf32> to vector<256x1xf32>
    %eq3A_633 = vector.broadcast %broadcast_in_dim3A_632 : vector<256x1xf32> to vector<256x2048xf32>
    %eq3A_634 = arith.cmpf oeq, %select_n3A_629, %eq3A_633 : vector<256x2048xf32>
    %jit3A_635 = arith.constant 1.011200e+04 : f32
    %broadcast_in_dim3A_636 = vector.broadcast %jit3A_635 : f32 to vector<256x2048xf32>
    %select_n3A_637 = arith.select %eq3A_634, %reshape3A_407, %broadcast_in_dim3A_636 : vector<256x2048xi1>, vector<256x2048xf32>
    %reduce_min3A_638 = arith.constant dense<0x7F800000> : vector<256xf32>
    %reduce_min3A_639 = vector.multi_reduction <minimumf>, %select_n3A_637, %reduce_min3A_638 [1] : vector<256x2048xf32> to vector<256xf32>
    %broadcast_in_dim3A_640 = vector.shape_cast %reduce_min3A_639 : vector<256xf32> to vector<256x1xf32>
    %eq3A_641 = arith.constant 10 : i32
    %eq3A_642 = vector.broadcast %eq3A_641 : i32 to vector<256x16xi32>
    %eq3A_643 = arith.cmpi eq, %iota3A_39, %eq3A_642 : vector<256x16xi32>
    %broadcast_in_dim3A_644 = vector.shape_cast %broadcast_in_dim3A_640 : vector<256x1xf32> to vector<256x1xf32>
    %broadcast_in_dim3A_645 = vector.broadcast %broadcast_in_dim3A_644 : vector<256x1xf32> to vector<256x16xf32>
    %select_n3A_646 = arith.select %eq3A_643, %broadcast_in_dim3A_645, %select_n3A_624 : vector<256x16xi1>, vector<256x16xf32>
    %eq3A_647 = vector.broadcast %broadcast_in_dim3A_640 : vector<256x1xf32> to vector<256x2048xf32>
    %eq3A_648 = arith.cmpf oeq, %reshape3A_407, %eq3A_647 : vector<256x2048xf32>
    %jit3A_649 = arith.constant 1.000000e+30 : f32
    %broadcast_in_dim3A_650 = vector.broadcast %jit3A_649 : f32 to vector<256x2048xf32>
    %select_n3A_651 = arith.select %eq3A_648, %broadcast_in_dim3A_650, %select_n3A_629 : vector<256x2048xi1>, vector<256x2048xf32>
    %reduce_min3A_652 = arith.constant dense<0x7F800000> : vector<256xf32>
    %reduce_min3A_653 = vector.multi_reduction <minimumf>, %select_n3A_651, %reduce_min3A_652 [1] : vector<256x2048xf32> to vector<256xf32>
    %broadcast_in_dim3A_654 = vector.shape_cast %reduce_min3A_653 : vector<256xf32> to vector<256x1xf32>
    %eq3A_655 = vector.broadcast %broadcast_in_dim3A_654 : vector<256x1xf32> to vector<256x2048xf32>
    %eq3A_656 = arith.cmpf oeq, %select_n3A_651, %eq3A_655 : vector<256x2048xf32>
    %jit3A_657 = arith.constant 1.011200e+04 : f32
    %broadcast_in_dim3A_658 = vector.broadcast %jit3A_657 : f32 to vector<256x2048xf32>
    %select_n3A_659 = arith.select %eq3A_656, %reshape3A_407, %broadcast_in_dim3A_658 : vector<256x2048xi1>, vector<256x2048xf32>
    %reduce_min3A_660 = arith.constant dense<0x7F800000> : vector<256xf32>
    %reduce_min3A_661 = vector.multi_reduction <minimumf>, %select_n3A_659, %reduce_min3A_660 [1] : vector<256x2048xf32> to vector<256xf32>
    %broadcast_in_dim3A_662 = vector.shape_cast %reduce_min3A_661 : vector<256xf32> to vector<256x1xf32>
    %eq3A_663 = arith.constant 11 : i32
    %eq3A_664 = vector.broadcast %eq3A_663 : i32 to vector<256x16xi32>
    %eq3A_665 = arith.cmpi eq, %iota3A_39, %eq3A_664 : vector<256x16xi32>
    %broadcast_in_dim3A_666 = vector.shape_cast %broadcast_in_dim3A_662 : vector<256x1xf32> to vector<256x1xf32>
    %broadcast_in_dim3A_667 = vector.broadcast %broadcast_in_dim3A_666 : vector<256x1xf32> to vector<256x16xf32>
    %select_n3A_668 = arith.select %eq3A_665, %broadcast_in_dim3A_667, %select_n3A_646 : vector<256x16xi1>, vector<256x16xf32>
    %eq3A_669 = vector.broadcast %broadcast_in_dim3A_662 : vector<256x1xf32> to vector<256x2048xf32>
    %eq3A_670 = arith.cmpf oeq, %reshape3A_407, %eq3A_669 : vector<256x2048xf32>
    %jit3A_671 = arith.constant 1.000000e+30 : f32
    %broadcast_in_dim3A_672 = vector.broadcast %jit3A_671 : f32 to vector<256x2048xf32>
    %select_n3A_673 = arith.select %eq3A_670, %broadcast_in_dim3A_672, %select_n3A_651 : vector<256x2048xi1>, vector<256x2048xf32>
    %reduce_min3A_674 = arith.constant dense<0x7F800000> : vector<256xf32>
    %reduce_min3A_675 = vector.multi_reduction <minimumf>, %select_n3A_673, %reduce_min3A_674 [1] : vector<256x2048xf32> to vector<256xf32>
    %broadcast_in_dim3A_676 = vector.shape_cast %reduce_min3A_675 : vector<256xf32> to vector<256x1xf32>
    %eq3A_677 = vector.broadcast %broadcast_in_dim3A_676 : vector<256x1xf32> to vector<256x2048xf32>
    %eq3A_678 = arith.cmpf oeq, %select_n3A_673, %eq3A_677 : vector<256x2048xf32>
    %jit3A_679 = arith.constant 1.011200e+04 : f32
    %broadcast_in_dim3A_680 = vector.broadcast %jit3A_679 : f32 to vector<256x2048xf32>
    %select_n3A_681 = arith.select %eq3A_678, %reshape3A_407, %broadcast_in_dim3A_680 : vector<256x2048xi1>, vector<256x2048xf32>
    %reduce_min3A_682 = arith.constant dense<0x7F800000> : vector<256xf32>
    %reduce_min3A_683 = vector.multi_reduction <minimumf>, %select_n3A_681, %reduce_min3A_682 [1] : vector<256x2048xf32> to vector<256xf32>
    %broadcast_in_dim3A_684 = vector.shape_cast %reduce_min3A_683 : vector<256xf32> to vector<256x1xf32>
    %eq3A_685 = arith.constant 12 : i32
    %eq3A_686 = vector.broadcast %eq3A_685 : i32 to vector<256x16xi32>
    %eq3A_687 = arith.cmpi eq, %iota3A_39, %eq3A_686 : vector<256x16xi32>
    %broadcast_in_dim3A_688 = vector.shape_cast %broadcast_in_dim3A_684 : vector<256x1xf32> to vector<256x1xf32>
    %broadcast_in_dim3A_689 = vector.broadcast %broadcast_in_dim3A_688 : vector<256x1xf32> to vector<256x16xf32>
    %select_n3A_690 = arith.select %eq3A_687, %broadcast_in_dim3A_689, %select_n3A_668 : vector<256x16xi1>, vector<256x16xf32>
    %eq3A_691 = vector.broadcast %broadcast_in_dim3A_684 : vector<256x1xf32> to vector<256x2048xf32>
    %eq3A_692 = arith.cmpf oeq, %reshape3A_407, %eq3A_691 : vector<256x2048xf32>
    %jit3A_693 = arith.constant 1.000000e+30 : f32
    %broadcast_in_dim3A_694 = vector.broadcast %jit3A_693 : f32 to vector<256x2048xf32>
    %select_n3A_695 = arith.select %eq3A_692, %broadcast_in_dim3A_694, %select_n3A_673 : vector<256x2048xi1>, vector<256x2048xf32>
    %reduce_min3A_696 = arith.constant dense<0x7F800000> : vector<256xf32>
    %reduce_min3A_697 = vector.multi_reduction <minimumf>, %select_n3A_695, %reduce_min3A_696 [1] : vector<256x2048xf32> to vector<256xf32>
    %broadcast_in_dim3A_698 = vector.shape_cast %reduce_min3A_697 : vector<256xf32> to vector<256x1xf32>
    %eq3A_699 = vector.broadcast %broadcast_in_dim3A_698 : vector<256x1xf32> to vector<256x2048xf32>
    %eq3A_700 = arith.cmpf oeq, %select_n3A_695, %eq3A_699 : vector<256x2048xf32>
    %jit3A_701 = arith.constant 1.011200e+04 : f32
    %broadcast_in_dim3A_702 = vector.broadcast %jit3A_701 : f32 to vector<256x2048xf32>
    %select_n3A_703 = arith.select %eq3A_700, %reshape3A_407, %broadcast_in_dim3A_702 : vector<256x2048xi1>, vector<256x2048xf32>
    %reduce_min3A_704 = arith.constant dense<0x7F800000> : vector<256xf32>
    %reduce_min3A_705 = vector.multi_reduction <minimumf>, %select_n3A_703, %reduce_min3A_704 [1] : vector<256x2048xf32> to vector<256xf32>
    %broadcast_in_dim3A_706 = vector.shape_cast %reduce_min3A_705 : vector<256xf32> to vector<256x1xf32>
    %eq3A_707 = arith.constant 13 : i32
    %eq3A_708 = vector.broadcast %eq3A_707 : i32 to vector<256x16xi32>
    %eq3A_709 = arith.cmpi eq, %iota3A_39, %eq3A_708 : vector<256x16xi32>
    %broadcast_in_dim3A_710 = vector.shape_cast %broadcast_in_dim3A_706 : vector<256x1xf32> to vector<256x1xf32>
    %broadcast_in_dim3A_711 = vector.broadcast %broadcast_in_dim3A_710 : vector<256x1xf32> to vector<256x16xf32>
    %select_n3A_712 = arith.select %eq3A_709, %broadcast_in_dim3A_711, %select_n3A_690 : vector<256x16xi1>, vector<256x16xf32>
    %eq3A_713 = vector.broadcast %broadcast_in_dim3A_706 : vector<256x1xf32> to vector<256x2048xf32>
    %eq3A_714 = arith.cmpf oeq, %reshape3A_407, %eq3A_713 : vector<256x2048xf32>
    %jit3A_715 = arith.constant 1.000000e+30 : f32
    %broadcast_in_dim3A_716 = vector.broadcast %jit3A_715 : f32 to vector<256x2048xf32>
    %select_n3A_717 = arith.select %eq3A_714, %broadcast_in_dim3A_716, %select_n3A_695 : vector<256x2048xi1>, vector<256x2048xf32>
    %reduce_min3A_718 = arith.constant dense<0x7F800000> : vector<256xf32>
    %reduce_min3A_719 = vector.multi_reduction <minimumf>, %select_n3A_717, %reduce_min3A_718 [1] : vector<256x2048xf32> to vector<256xf32>
    %broadcast_in_dim3A_720 = vector.shape_cast %reduce_min3A_719 : vector<256xf32> to vector<256x1xf32>
    %eq3A_721 = vector.broadcast %broadcast_in_dim3A_720 : vector<256x1xf32> to vector<256x2048xf32>
    %eq3A_722 = arith.cmpf oeq, %select_n3A_717, %eq3A_721 : vector<256x2048xf32>
    %jit3A_723 = arith.constant 1.011200e+04 : f32
    %broadcast_in_dim3A_724 = vector.broadcast %jit3A_723 : f32 to vector<256x2048xf32>
    %select_n3A_725 = arith.select %eq3A_722, %reshape3A_407, %broadcast_in_dim3A_724 : vector<256x2048xi1>, vector<256x2048xf32>
    %reduce_min3A_726 = arith.constant dense<0x7F800000> : vector<256xf32>
    %reduce_min3A_727 = vector.multi_reduction <minimumf>, %select_n3A_725, %reduce_min3A_726 [1] : vector<256x2048xf32> to vector<256xf32>
    %broadcast_in_dim3A_728 = vector.shape_cast %reduce_min3A_727 : vector<256xf32> to vector<256x1xf32>
    %eq3A_729 = arith.constant 14 : i32
    %eq3A_730 = vector.broadcast %eq3A_729 : i32 to vector<256x16xi32>
    %eq3A_731 = arith.cmpi eq, %iota3A_39, %eq3A_730 : vector<256x16xi32>
    %broadcast_in_dim3A_732 = vector.shape_cast %broadcast_in_dim3A_728 : vector<256x1xf32> to vector<256x1xf32>
    %broadcast_in_dim3A_733 = vector.broadcast %broadcast_in_dim3A_732 : vector<256x1xf32> to vector<256x16xf32>
    %select_n3A_734 = arith.select %eq3A_731, %broadcast_in_dim3A_733, %select_n3A_712 : vector<256x16xi1>, vector<256x16xf32>
    %eq3A_735 = vector.broadcast %broadcast_in_dim3A_728 : vector<256x1xf32> to vector<256x2048xf32>
    %eq3A_736 = arith.cmpf oeq, %reshape3A_407, %eq3A_735 : vector<256x2048xf32>
    %jit3A_737 = arith.constant 1.000000e+30 : f32
    %broadcast_in_dim3A_738 = vector.broadcast %jit3A_737 : f32 to vector<256x2048xf32>
    %select_n3A_739 = arith.select %eq3A_736, %broadcast_in_dim3A_738, %select_n3A_717 : vector<256x2048xi1>, vector<256x2048xf32>
    %reduce_min3A_740 = arith.constant dense<0x7F800000> : vector<256xf32>
    %reduce_min3A_741 = vector.multi_reduction <minimumf>, %select_n3A_739, %reduce_min3A_740 [1] : vector<256x2048xf32> to vector<256xf32>
    %broadcast_in_dim3A_742 = vector.shape_cast %reduce_min3A_741 : vector<256xf32> to vector<256x1xf32>
    %eq3A_743 = vector.broadcast %broadcast_in_dim3A_742 : vector<256x1xf32> to vector<256x2048xf32>
    %eq3A_744 = arith.cmpf oeq, %select_n3A_739, %eq3A_743 : vector<256x2048xf32>
    %jit3A_745 = arith.constant 1.011200e+04 : f32
    %broadcast_in_dim3A_746 = vector.broadcast %jit3A_745 : f32 to vector<256x2048xf32>
    %select_n3A_747 = arith.select %eq3A_744, %reshape3A_407, %broadcast_in_dim3A_746 : vector<256x2048xi1>, vector<256x2048xf32>
    %reduce_min3A_748 = arith.constant dense<0x7F800000> : vector<256xf32>
    %reduce_min3A_749 = vector.multi_reduction <minimumf>, %select_n3A_747, %reduce_min3A_748 [1] : vector<256x2048xf32> to vector<256xf32>
    %broadcast_in_dim3A_750 = vector.shape_cast %reduce_min3A_749 : vector<256xf32> to vector<256x1xf32>
    %eq3A_751 = arith.constant 15 : i32
    %eq3A_752 = vector.broadcast %eq3A_751 : i32 to vector<256x16xi32>
    %eq3A_753 = arith.cmpi eq, %iota3A_39, %eq3A_752 : vector<256x16xi32>
    %broadcast_in_dim3A_754 = vector.shape_cast %broadcast_in_dim3A_750 : vector<256x1xf32> to vector<256x1xf32>
    %broadcast_in_dim3A_755 = vector.broadcast %broadcast_in_dim3A_754 : vector<256x1xf32> to vector<256x16xf32>
    %select_n3A_756 = arith.select %eq3A_753, %broadcast_in_dim3A_755, %select_n3A_734 : vector<256x16xi1>, vector<256x16xf32>
    %convert_element_type3A_757 = arith.fptosi %select_n3A_756 : vector<256x16xf32> to vector<256x16xi32>
    %swap3A = arith.constant 0 : index
    %swap3A_758 = arith.constant 0 : index
    %swap3A_759 = vector.load %arg3[%swap3A, %swap3A_758] : memref<256x16xi32, #tpu.memory_space<vmem>>, vector<256x16xi32>
    tpu.vector_store %arg3[%swap3A, %swap3A_758], %convert_element_type3A_757 {strides = array<i32>} : memref<256x16xi32, #tpu.memory_space<vmem>>, vector<256x16xi32>,
    return
  }
  func.func @transform_0(%arg0: i32) -> (i32, i32) {
    %c0_i32 = arith.constant 0 : i32
    %c0_i32_0 = arith.constant 0 : i32
    %c0_i32_1 = arith.constant 0 : i32
    return %c0_i32, %c0_i32_0 : i32, i32
  }
  func.func @transform_1(%arg0: i32) -> (i32, i32) {
    %c0_i32 = arith.constant 0 : i32
    %c0_i32_0 = arith.constant 0 : i32
    return %arg0, %c0_i32 : i32, i32
  }
  func.func @transform_2(%arg0: i32) -> (i32, i32) {
    %c0_i32 = arith.constant 0 : i32
    %c0_i32_0 = arith.constant 0 : i32
    return %arg0, %c0_i32 : i32, i32
  }
}

module attributes {stable_mosaic.version = 14 : i64} {
  func.func @_pq_kernel(%arg0: memref<10240x131xf32, #tpu.memory_space<vmem>>, %arg1: memref<131x128xf32, #tpu.memory_space<vmem>>, %arg2: memref<131x128xf32, #tpu.memory_space<vmem>>, %arg3: memref<1x128xf32, #tpu.memory_space<vmem>>, %arg4: memref<10240x128xf32, #tpu.memory_space<vmem>>, %arg5: memref<10240x128xf32, #tpu.memory_space<vmem>>) attributes {dimension_semantics = [], scalar_prefetch = 0 : i64, scratch_operands = 0 : i64, tpu.core_type = #tpu.core_type<tc>} {
    %get3A = arith.constant 0 : index
    %get3A_0 = arith.constant 0 : index
    %get3A_1 = vector.load %arg0[%get3A, %get3A_0] : memref<10240x131xf32, #tpu.memory_space<vmem>>, vector<10240x131xf32>
    %get3A_2 = arith.constant 0 : index
    %get3A_3 = arith.constant 0 : index
    %get3A_4 = vector.load %arg1[%get3A_2, %get3A_3] : memref<131x128xf32, #tpu.memory_space<vmem>>, vector<131x128xf32>
    %dot_general3A = arith.constant dense<0.000000e+00> : vector<10240x128xf32>
    %dot_general3A_5 = tpu.matmul %get3A_1, %get3A_4, %dot_general3A {dimension_numbers = #tpu.dot_dimension_numbers<[1], [0], [0], [1], [0, 0, 1, 1], [], []>, transpose_lhs_hint = false} : vector<10240x131xf32>, vector<131x128xf32>, vector<10240x128xf32> -> vector<10240x128xf32>
    %swap3A = arith.constant 0 : index
    %swap3A_6 = arith.constant 0 : index
    %swap3A_7 = vector.load %arg4[%swap3A, %swap3A_6] : memref<10240x128xf32, #tpu.memory_space<vmem>>, vector<10240x128xf32>
    tpu.vector_store %arg4[%swap3A, %swap3A_6], %dot_general3A_5 {strides = array<i32>} : memref<10240x128xf32, #tpu.memory_space<vmem>>, vector<10240x128xf32>,
    %get3A_8 = arith.constant 0 : index
    %get3A_9 = arith.constant 0 : index
    %get3A_10 = vector.load %arg2[%get3A_8, %get3A_9] : memref<131x128xf32, #tpu.memory_space<vmem>>, vector<131x128xf32>
    %dot_general3A_11 = arith.constant dense<0.000000e+00> : vector<10240x128xf32>
    %dot_general3A_12 = tpu.matmul %get3A_1, %get3A_10, %dot_general3A_11 {dimension_numbers = #tpu.dot_dimension_numbers<[1], [0], [0], [1], [0, 0, 1, 1], [], []>, transpose_lhs_hint = false} : vector<10240x131xf32>, vector<131x128xf32>, vector<10240x128xf32> -> vector<10240x128xf32>
    %get3A_13 = arith.constant 0 : index
    %get3A_14 = arith.constant 0 : index
    %get3A_15 = vector.load %arg3[%get3A_13, %get3A_14] : memref<1x128xf32, #tpu.memory_space<vmem>>, vector<1x128xf32>
    %add3A = vector.broadcast %get3A_15 : vector<1x128xf32> to vector<10240x128xf32>
    %add3A_16 = arith.addf %dot_general3A_12, %add3A : vector<10240x128xf32>
    %swap3A_17 = arith.constant 0 : index
    %swap3A_18 = arith.constant 0 : index
    %swap3A_19 = vector.load %arg5[%swap3A_17, %swap3A_18] : memref<10240x128xf32, #tpu.memory_space<vmem>>, vector<10240x128xf32>
    tpu.vector_store %arg5[%swap3A_17, %swap3A_18], %add3A_16 {strides = array<i32>} : memref<10240x128xf32, #tpu.memory_space<vmem>>, vector<10240x128xf32>,
    return
  }
}

module attributes {stable_mosaic.version = 14 : i64} {
  func.func @_mlp_kernel(%arg0: i32, %arg1: memref<256x128xf32, #tpu.memory_space<vmem>>, %arg2: memref<4096x128xf32, #tpu.memory_space<vmem>>, %arg3: memref<256x3xf32, #tpu.memory_space<vmem>>, %arg4: memref<128x3xf32, #tpu.memory_space<vmem>>, %arg5: memref<1x3xf32, #tpu.memory_space<vmem>>, %arg6: memref<256x3xf32, #tpu.memory_space<vmem>>) attributes {dimension_semantics = [#tpu.dimension_semantics<arbitrary>], iteration_bounds = array<i64: 40>, scalar_prefetch = 0 : i64, scratch_operands = 0 : i64, tpu.core_type = #tpu.core_type<tc>, window_params = [{transform_indices = @transform_0, window_bounds = array<i64: 256, 128>}, {transform_indices = @transform_1, window_bounds = array<i64: 4096, 128>}, {transform_indices = @transform_2, window_bounds = array<i64: 256, 3>}, {pipeline_mode = #tpu.pipeline_mode<synchronous>, transform_indices = @transform_3, window_bounds = array<i64: 128, 3>}, {pipeline_mode = #tpu.pipeline_mode<synchronous>, transform_indices = @transform_4, window_bounds = array<i64: 1, 3>}, {transform_indices = @transform_5, window_bounds = array<i64: 256, 3>}]} {
    %get3A = arith.constant 0 : index
    %get3A_0 = arith.constant 0 : index
    %get3A_1 = vector.load %arg1[%get3A, %get3A_0] : memref<256x128xf32, #tpu.memory_space<vmem>>, vector<256x128xf32>
    %reshape3A = vector.shape_cast %get3A_1 : vector<256x128xf32> to vector<256x1x128xf32>
    %get3A_2 = arith.constant 0 : index
    %get3A_3 = arith.constant 0 : index
    %get3A_4 = vector.load %arg2[%get3A_2, %get3A_3] : memref<4096x128xf32, #tpu.memory_space<vmem>>, vector<4096x128xf32>
    %reshape3A_5 = vector.shape_cast %get3A_4 : vector<4096x128xf32> to vector<256x16x128xf32>
    %add3A = vector.broadcast %reshape3A : vector<256x1x128xf32> to vector<256x16x128xf32>
    %add3A_6 = arith.addf %reshape3A_5, %add3A : vector<256x16x128xf32>
    %max3A = arith.constant 0.000000e+00 : f32
    %max3A_7 = vector.broadcast %max3A : f32 to vector<256x16x128xf32>
    %max3A_8 = arith.maximumf %add3A_6, %max3A_7 : vector<256x16x128xf32>
    %reshape3A_9 = vector.shape_cast %max3A_8 : vector<256x16x128xf32> to vector<4096x128xf32>
    %get3A_10 = arith.constant 0 : index
    %get3A_11 = arith.constant 0 : index
    %get3A_12 = vector.load %arg4[%get3A_10, %get3A_11] : memref<128x3xf32, #tpu.memory_space<vmem>>, vector<128x3xf32>
    %dot_general3A = arith.constant dense<0.000000e+00> : vector<4096x3xf32>
    %dot_general3A_13 = tpu.matmul %reshape3A_9, %get3A_12, %dot_general3A {dimension_numbers = #tpu.dot_dimension_numbers<[1], [0], [0], [1], [0, 0, 1, 1], [], []>, transpose_lhs_hint = false} : vector<4096x128xf32>, vector<128x3xf32>, vector<4096x3xf32> -> vector<4096x3xf32>
    %reshape3A_14 = vector.shape_cast %dot_general3A_13 : vector<4096x3xf32> to vector<256x16x3xf32>
    %reduce_max3A = arith.constant dense<0xFF800000> : vector<256x3xf32>
    %reduce_max3A_15 = vector.multi_reduction <maximumf>, %reshape3A_14, %reduce_max3A [1] : vector<256x16x3xf32> to vector<256x3xf32>
    %get3A_16 = arith.constant 0 : index
    %get3A_17 = arith.constant 0 : index
    %get3A_18 = vector.load %arg3[%get3A_16, %get3A_17] : memref<256x3xf32, #tpu.memory_space<vmem>>, vector<256x3xf32>
    %get3A_19 = arith.constant 0 : index
    %get3A_20 = arith.constant 0 : index
    %get3A_21 = vector.load %arg5[%get3A_19, %get3A_20] : memref<1x3xf32, #tpu.memory_space<vmem>>, vector<1x3xf32>
    %add3A_22 = vector.broadcast %get3A_21 : vector<1x3xf32> to vector<256x3xf32>
    %add3A_23 = arith.addf %reduce_max3A_15, %add3A_22 : vector<256x3xf32>
    %add3A_24 = arith.addf %get3A_18, %add3A_23 : vector<256x3xf32>
    %swap3A = arith.constant 0 : index
    %swap3A_25 = arith.constant 0 : index
    %swap3A_26 = vector.load %arg6[%swap3A, %swap3A_25] : memref<256x3xf32, #tpu.memory_space<vmem>>, vector<256x3xf32>
    tpu.vector_store %arg6[%swap3A, %swap3A_25], %add3A_24 {strides = array<i32>} : memref<256x3xf32, #tpu.memory_space<vmem>>, vector<256x3xf32>,
    return
  }
  func.func @transform_0(%arg0: i32) -> (i32, i32) {
    %c0_i32 = arith.constant 0 : i32
    %c0_i32_0 = arith.constant 0 : i32
    return %arg0, %c0_i32 : i32, i32
  }
  func.func @transform_1(%arg0: i32) -> (i32, i32) {
    %c0_i32 = arith.constant 0 : i32
    %c0_i32_0 = arith.constant 0 : i32
    return %arg0, %c0_i32 : i32, i32
  }
  func.func @transform_2(%arg0: i32) -> (i32, i32) {
    %c0_i32 = arith.constant 0 : i32
    %c0_i32_0 = arith.constant 0 : i32
    return %arg0, %c0_i32 : i32, i32
  }
  func.func @transform_3(%arg0: i32) -> (i32, i32) {
    %c0_i32 = arith.constant 0 : i32
    %c0_i32_0 = arith.constant 0 : i32
    %c0_i32_1 = arith.constant 0 : i32
    return %c0_i32, %c0_i32_0 : i32, i32
  }
  func.func @transform_4(%arg0: i32) -> (i32, i32) {
    %c0_i32 = arith.constant 0 : i32
    %c0_i32_0 = arith.constant 0 : i32
    %c0_i32_1 = arith.constant 0 : i32
    return %c0_i32, %c0_i32_0 : i32, i32
  }
  func.func @transform_5(%arg0: i32) -> (i32, i32) {
    %c0_i32 = arith.constant 0 : i32
    %c0_i32_0 = arith.constant 0 : i32
    return %arg0, %c0_i32 : i32, i32
  }
}

</mosaic_0001>

<sc_bundles>
// kernel: kernel.6.cloned.1.call-start
scs
__scs_entry_jumppad:
0x0: {  	(pc) =	sbr.rel $0x88, $3  }
0x1: {  	(tag) =	ssettag $0x0;
	lr =	simm.s32 $0x1  }
0x2: {  	[smem:$0x3F9B] =	sst lr;
	_ =	strace $0xD0000000  }
0x3: {  	_ = 	snop  }
0x4: {  	_ = 	snop  }
0x5: {  	_ = 	snop  }
0x6: {  	_ = 	snop  }
0x7: {  	_ = 	snop  }
__scs_overlays_trampoline_lowered:
0x8: {  	[smem:$0x3FAA] =	sst s0  }
0x9: {  	[smem:$0x3FAB] =	sst s1  }
0xa: {  	[smem:$0x3FAC] =	sst s2  }
0xb: {  	[smem:$0x3FAD] =	sst s3  }
0xc: {  	[smem:$0x3FAE] =	sst s4  }
0xd: {  	[smem:$0x3FAF] =	sst s5  }
0xe: {  	[smem:$0x3FB0] =	sst s6  }
0xf: {  	[smem:$0x3FB1] =	sst s7  }
0x10: {  	[smem:$0x3FB2] =	sst s8  }
0x11: {  	[smem:$0x3FB3] =	sst s9;
	s0 =	simm.s32 @!p0 $0x0  }
0x12: {  	s1 =	sld [smem:$0x3F99];
	s0 =	simm.s32 @p0 $0x1  }
0x13: {  	[smem:$0x3FB4] =	sst s0;
	s0 =	simm.s32 @!p1 $0x0  }
0x14: {  	s2 =	sld [smem:$0x3F98];
	s0 =	simm.s32 @p1 $0x1  }
0x15: {  	[smem:$0x3FB5] =	sst s0;
	s0 =	simm.s32 @!p2 $0x0  }
0x16: {  	s3 =	sld [smem:$0x3FDB];
	s0 =	simm.s32 @p2 $0x1  }
0x17: {  	s4 =	simm.s32 $0x1BF5;
	[smem:$0x3FB7] =	sst s0  }
0x18: {  	s0 =	sld [smem:$0x3F9A];
	_ =	swait.ge [sflag:s4], $0x0  }
0x19: {  	s7 =	sld [smem:$0x3F9B]  }
0x1a: {  	s8 =	sadd.s32 $0xFFFFE003, lr  }
0x1b: {  	s9 =	sadd.s32 $0xFFFFFEF7, lr;
	s5 =	simm.s32 $0xFFFFFFFF;
	p2 =	slt.u32 s8, $0xFFFFF086  }
0x1c: {  	p1 =	slt.u32 s9, $0xF7A;
	s5 =	simm.s32 @!p2 $0x0  }
0x1d: {  	s5 =	simm.s32 @p1 $0x1;
	p0 =	seq.s32 s7, s2  }
0x1e: {  	s7 =	smul.u32 @!p0 $0xF7A, s2;
	p2 =	seq.s32 @!p0 s5, $0x0  }
0x1f: {  	s9 =	smul.u32 $0xF7A, s1;
	s8 =	simm.s32 @!p0 $0x1BF5;
	p2 =	por !p2, p0  }
0x20: {  	[sflag:s8] =	ssyncset.s32 @!p0 $0xFFFFF086;
	s6 =	sadd.s32 @!p0 s3, s7;
	s7 =	simm.s32 @!p0 $0x108  }
0x21: {  	s3 =	sadd.s32 s3, s9;
	s6 =	sadd.s32 @!p0 $0x88, s6;
	s7 =	simm.s32 @p2 $0x1082  }
0x22: {  	[simem:s7], [sflag:s8] =	dma.local @!p0 [hbm:s6], $0xF7A  }
0x23: {  	s9 =	sor.u32 $0xD0000000, s2;
	s6 =	simm.s32 $0x108;
	_ =	swait.ge @!p0 [sflag:s8], $0x0  }
0x24: {  	s3 =	sadd.s32 $0x88, s3;
	s6 =	simm.s32 @!p1 $0x1082;
	[sflag:s4] =	ssyncset.s32 $0xFFFFF086  }
0x25: {  	[simem:s6], [sflag:s4] =	dma.local [hbm:s3], $0xF7A  }
0x26: {  	[smem:$0x3F9B] =	sst s1;
	(tag) =	ssettag s2;
	_ =	strace s9  }
0x27: {  	s1 =	sld [smem:$0x3FAB]  }
0x28: {  	s2 =	sld [smem:$0x3FAC]  }
0x29: {  	s4 =	sld [smem:$0x3FAE]  }
0x2a: {  	p0 =	seq.s32 s5, $0x0;
	s5 =	sld [smem:$0x3FAF]  }
0x2b: {  	s6 =	sld [smem:$0x3FB0]  }
0x2c: {  	s7 =	sld [smem:$0x3FB1]  }
0x2d: {  	s3 =	simm.s32 $0x108;
	s8 =	sld [smem:$0x3FB2]  }
0x2e: {  	s3 =	simm.s32 @!p0 $0x1082;
	s9 =	sld [smem:$0x3FB3]  }
0x2f: {  	lr =	sadd.s32 s0, s3;
	s0 =	sld [smem:$0x3FAA]  }
0x30: {  	s3 =	sld [smem:$0x3FAD]  }
0x31: {  	[smem:$0x3FB6] =	sst s10  }
0x32: {  	s10 =	sld [smem:$0x3FB4];
	_ =	sdelay $0x3  }
0x33: {  	p0 =	seq.s32 s10, $0x1;
	s10 =	sld [smem:$0x3FB6];
	_ =	sdelay $0x3  }
0x34: {  	[smem:$0x3FB6] =	sst s10  }
0x35: {  	s10 =	sld [smem:$0x3FB5];
	_ =	sdelay $0x3  }
0x36: {  	p1 =	seq.s32 s10, $0x1;
	s10 =	sld [smem:$0x3FB6];
	_ =	sdelay $0x3  }
0x37: {  	[smem:$0x3FB6] =	sst s10  }
0x38: {  	s10 =	sld [smem:$0x3FB7]  }
0x39: {  	_ = 	snop;
	(pc) =	sbr.ind lr, $3  }
0x3a: {  	_ = 	snop  }
0x3b: {  	_ = 	snop  }
0x3c: {  	p2 =	seq.s32 s10, $0x1;
	s10 =	sld [smem:$0x3FB6]  }
0x3d: {  	_ =	shalt  }
0x3e: {  	_ =	shalt  }
0x3f: {  	_ =	shalt  }
0x40: {  	_ =	shalt  }
0x41: {  	_ =	shalt  }
0x42: {  	_ =	shalt  }
0x43: {  	_ =	shalt  }
0x44: {  	_ =	shalt  }
0x45: {  	_ =	shalt  }
0x46: {  	_ =	shalt  }
0x47: {  	_ =	shalt  }
0x48: {  	_ =	shalt  }
0x49: {  	_ =	shalt  }
0x4a: {  	_ =	shalt  }
0x4b: {  	_ =	shalt  }
0x4c: {  	_ =	shalt  }
0x4d: {  	_ =	shalt  }
0x4e: {  	_ =	shalt  }
0x4f: {  	_ =	shalt  }
0x50: {  	_ =	shalt  }
0x51: {  	_ =	shalt  }
0x52: {  	_ =	shalt  }
0x53: {  	_ =	shalt  }
0x54: {  	_ =	shalt  }
0x55: {  	_ =	shalt  }
0x56: {  	_ =	shalt  }
0x57: {  	_ =	shalt  }
0x58: {  	_ =	shalt  }
0x59: {  	_ =	shalt  }
0x5a: {  	_ =	shalt  }
0x5b: {  	_ =	shalt  }
0x5c: {  	_ =	shalt  }
0x5d: {  	_ =	shalt  }
0x5e: {  	_ =	shalt  }
0x5f: {  	_ =	shalt  }
0x60: {  	_ =	shalt  }
0x61: {  	_ =	shalt  }
0x62: {  	_ =	shalt  }
0x63: {  	_ =	shalt  }
0x64: {  	_ =	shalt  }
0x65: {  	_ =	shalt  }
0x66: {  	_ =	shalt  }
0x67: {  	_ =	shalt  }
0x68: {  	_ =	shalt  }
0x69: {  	_ =	shalt  }
0x6a: {  	_ =	shalt  }
0x6b: {  	_ =	shalt  }
0x6c: {  	_ =	shalt  }
0x6d: {  	_ =	shalt  }
0x6e: {  	_ =	shalt  }
0x6f: {  	_ =	shalt  }
0x70: {  	_ =	shalt  }
0x71: {  	_ =	shalt  }
0x72: {  	_ =	shalt  }
0x73: {  	_ =	shalt  }
0x74: {  	_ =	shalt  }
0x75: {  	_ =	shalt  }
0x76: {  	_ =	shalt  }
0x77: {  	_ =	shalt  }
0x78: {  	_ =	shalt  }
0x79: {  	_ =	shalt  }
0x7a: {  	_ =	shalt  }
0x7b: {  	_ =	shalt  }
0x7c: {  	_ =	shalt  }
0x7d: {  	_ =	shalt  }
0x7e: {  	_ =	shalt  }
0x7f: {  	_ =	shalt  }
0x80: {  	_ =	shalt  }
0x81: {  	_ =	shalt  }
0x82: {  	_ =	shalt  }
0x83: {  	_ =	shalt  }
0x84: {  	_ =	shalt  }
0x85: {  	_ =	shalt  }
0x86: {  	_ =	shalt  }
0x87: {  	_ =	shalt  }
.Lfunc_end0:
.L_simem_size_0:
called_computation_lowered:
.L_overlay_start_0:
0x88: {  	s2 =	sld [smem:$0x3FD9]  }
0x89: {  	s3 =	sld [smem:$0x3FFE];
	_ =	sdelay $0x1  }
0x8a: {  	s1 =	srdreg.scid  }
0x8b: {  	s0 =	sand.u32 $0x1, s1  }
0x8c: {  	s16 =	sshll.u32 s0, $0xA;
	s2 =	sadd.s32 s3, s2  }
0x8d: {  	s2 =	sadd.s32 s2, s16  }
0x8e: {  	[smem:$0x3FC2] =	sst s2  }
0x8f: {  	_ = 	snop  }
0x90: {  	(tm) =	ssettm $0x1  }
0x91: {  	s17 =	sld [smem:$0x3FFB];
	_ =	sdelay $0x3  }
0x92: {  	_ =	strace s17  }
0x93: {  	s2 =	sld [smem:$0x3FFC];
	_ =	sdelay $0x3  }
0x94: {  	_ =	strace s2  }
0x95: {  	s2 =	sld [smem:$0x3FFD];
	_ =	sdelay $0x3  }
0x96: {  	_ =	strace s2  }
0x97: {  	_ =	strace $0x8FFFFFFF  }
0x98: {  	s18 =	sld [smem:$0x3FDB];
	_ =	sdelay $0x1  }
0x99: {  	s19 =	simm.s32 $_scs_section_size  }
0x9a: {  	s4 =	simm.s32 $_size__tile_overlayer_lowered;
	s5 =	simm.s32 $_tile_overlayer_lowered  }
0x9b: {  	s22 =	simm.s32 $0x1BFF;
	s21 =	sshll.u32 s5, $0x1;
	s2 =	sadd.s32 s19, s18  }
0x9c: {  	s6 =	simm.s32 $0x0;
	s20 =	sshll.u32 s4, $0x1;
	s4 =	sadd.s32 s21, s2  }
0x9d: {  	[timem:s6], [sflag:s22] =	dma.local [hbm:s4], s20  }
0x9e: {  	_ =	swait.ge [sflag:s22], s20  }
0x9f: {  	s3 =	ssub.s32 $0x0, s20;
	[sflag:s22] =	ssyncset.done $0x0  }
0xa0: {  	[sflag:s22] =	ssyncadd.s32 s3;
	_ =	sdelay $0x1  }
0xa1: {  	s23 =	simm.s32 $0x1B8B  }
0xa2: {  	_ =	swait.ge [sflag:s23], $0x1  }
0xa3: {  	[sflag:s23] =	ssyncset.done $0x0  }
0xa4: {  	s25 =	simm.s32 $0x1B8E;
	s24 =	sld [smem:$0x3FFE];
	[sflag:s23] =	ssyncadd.s32 $0xFFFFFFFF  }
0xa5: {  	s26 =	simm.s32 $execute0_lowered;
	[smem:$0x3FD2] =	sst s25  }
0xa6: {  	s4 =	sshll.u32 s26, $0x1;
	_ =	strace $0x80000046;
	[dreg:$0x1] =	wrdreg $0xFFFFFFFF  }
0xa7: {  	s28 =	simm.s32 $_size_execute0_lowered;
	s2 =	sadd.s32 s2, s4;
	[dreg:$0x0] =	wrdreg $0x0  }
0xa8: {  	s4 =	sshll.u32 s28, $0x1;
	[dreg:$0x2] =	wrdreg s2  }
0xa9: {  	[dreg:$0x3] =	wrdreg s4  }
0xaa: {  	[dreg:$0x4] =	wrdreg $0xC0  }
0xab: {  	_ =	task [dreg:s6], $0x5FFFF  }
0xac: {  	[dreg:$0x1] =	wrdreg $0xFFFFFFFF  }
0xad: {  	[dreg:$0x0] =	wrdreg $0x60  }
0xae: {  	[dreg:$0x2] =	wrdreg s24  }
0xaf: {  	[dreg:$0x3] =	wrdreg $0x9  }
0xb0: {  	_ =	task.clear_ibuf [dreg:s6], $0x4FFFF;
	_ =	strace $0x90000046  }
0xb1: {  	s29 =	simm.s32 $0x9;
	_ =	strace $0x80000048  }
0xb2: {  	_ =	swait.ge [sflag:s29], $0x1  }
0xb3: {  	[sflag:s29] =	ssyncadd.s32 $0xFFFFFFFF  }
0xb4: {  	_ =	strace $0x90000048  }
0xb5: {  	_ =	sfence  }
0xb6: {  	s30 =	sld [smem:$0x0];
	_ =	sdelay $0x2  }
0xb7: {  	s31 =	sshll.u32 s1, $0xD;
	s1 =	sshrl.u32 s1, $0x2  }
0xb8: {  	s3 =	sand.u32 $0x4000, s31;
	s1 =	sadd.s32 s1, s30  }
0xb9: {  	s0 =	sor.u32 s3, s0;
	s1 =	sshll.u32 s1, $0x11  }
0xba: {  	s0 =	sor.u32 s1, s0  }
0xbb: {  	s0 =	sadd.s32 $0x8F2B, s0  }
0xbc: {  	[sflag:s0] =	ssyncadd.remote.s32 $0x1  }
0xbd: {  	_ =	sfence.sel $0xFFFF  }
0xbe: {  	[dreg:$0x0] =	wrdreg $0xFFFFFFFF;
	(pc) =	sbr.abs _section_cstart, $3  }
0xbf: {  	[dreg:$0x1] =	wrdreg $0xFFFFFFFF  }
0xc0: {  	_ =	task.clear_ibuf [dreg:s6], $0x2FFFF;
	_ =	strace $0x9FFFFFFF  }
0xc1: {  	(tm) =	ssettm $0x7FFFFFFF  }
tec
execute0_lowered:
.L_overlay_start_1:
0x0: {  	(tag) =	ssettag $0x1  }
0x1: {  	s4 =	rddreg [dreg:$0x0]  }
0x2: {  	s0 =	rddreg [dreg:$0x1];
	s2 =	simm.s32 $0x0;
	s1 =	stileid.u32  }
0x3: {  	s3 =	srdreg.scid;
	s10 =	simm.s32 $0x0;
	s6 =	smul.u32 $0x2800, s1  }
0x4: {  	[smem:$0x7FF] =	sst s2;
	s5 =	sand.u32 $0x1, s3;
	s8 =	smul.u32 $0x28000, s1  }
0x5: {  	s3 =	sadd.s32 $0x1800, s4;
	s7 =	smul.u32 $0x1400, s5;
	s9 =	ssub.s32 $0x2, s5  }
0x6: {  	_ =	strace $0x80000047;
	s5 =	smul.u32 $0x14000, s5;
	s31 =	sshrl.u32 s9, $0x1  }
0x7: {  	s8 =	sadd.s32 s8, s4;
	s6 =	sadd.s32 s7, s6;
	s7 =	ssub.s32 s9, s31  }
0x8: {  	s5 =	sadd.s32 s5, s8;
	s8 =	simm.s32 $0x100;
	s6 =	sshrl.u32 s6, $0x3  }
0x9: {  	s9 =	simm.s32 $0x1;
	s5 =	sadd.s32 $0x56800, s5;
	s6 =	sadd.s32 s6, s4  }
0xa: {  	s4 =	smax.u32 s7, $0x1;
	s7 =	simm.s32 $0x2;
	s6 =	sadd.s32 $0x51800, s6  }
.LBB2_1:
0xb: {  	s11 =	sadd.s32 $0x0, s6  }
0xc: {  	[tilespmem:s2], [sflag:$0x2] =	stream.linear.gather [hbm4b:s11+s2], $0x100, $0x38;
	[tilespmem:$0x8100] =	vst v63  }
0xd: {  	_ =	swait.ge [sflag:s7], $0x100  }
0xe: {  	[sflag:s7] =	ssyncset.done $0x0  }
0xf: {  	[sflag:s7] =	ssyncadd.s32 $0xFFFFFF00  }
0x10: {  	[tilespmem:s8], [sflag:$0x1] =	stream.indirect.gather [hbm4b:s3+s8], $0x80, s2, s8, $0xb8;
	[tilespmem:$0x8100] =	vst v63  }
0x11: {  	_ =	swait.ge [sflag:s9], $0x8000  }
0x12: {  	[sflag:s9] =	ssyncset.done $0x0  }
0x13: {  	[sflag:s9] =	ssyncadd.s32 $0xFFFF8000  }
0x14: {  	[hbm4b:s5+s2] =	stream.linear.scatter [tilespmem:s8], [sflag:$0x2], $0x8000, $0x38;
	[tilespmem:$0x8100] =	vst v63  }
0x15: {  	s12 =	simm.s32 $0x20;
	_ =	swait.ge [sflag:s7], $0x8000  }
0x16: {  	s13 =	simm.s32 $0x40;
	s11 =	sadd.s32 $0x1000, s5;
	[sflag:s7] =	ssyncset.done $0x0  }
.LBB2_2:
0x17: {  	s14 =	sadd.s32 s12, s6  }
0x18: {  	[sflag:s7] =	ssyncadd.s32 $0xFFFF8000;
	s12 =	smov.u32 s13;
	s15 =	sadd.s32 $0x20, s13  }
0x19: {  	[tilespmem:s2], [sflag:$0x2] =	stream.linear.gather [hbm4b:s14+s2], $0x100, $0x38;
	[tilespmem:$0x8100] =	vst v63  }
0x1a: {  	p0 =	sne.s32 s13, $0x260;
	_ =	swait.ge [sflag:s7], $0x100  }
0x1b: {  	[sflag:s7] =	ssyncset.done $0x0  }
0x1c: {  	[sflag:s7] =	ssyncadd.s32 $0xFFFFFF00  }
0x1d: {  	[tilespmem:s8], [sflag:$0x1] =	stream.indirect.gather [hbm4b:s3+s8], $0x80, s2, s8, $0xb8;
	[tilespmem:$0x8100] =	vst v63  }
0x1e: {  	_ =	swait.ge [sflag:s9], $0x8000  }
.Ltmp0:
0x1f: {  	[sflag:s9] =	ssyncset.done $0x0;
	(pc) =	sbr.rel @p0 .LBB2_2-.Ltmp0, $4  }
0x20: {  	[sflag:s9] =	ssyncadd.s32 $0xFFFF8000  }
0x21: {  	[hbm4b:s11+s2] =	stream.linear.scatter [tilespmem:s8], [sflag:$0x2], $0x8000, $0x38;
	[tilespmem:$0x8100] =	vst v63  }
0x22: {  	_ =	swait.ge [sflag:s7], $0x8000  }
0x23: {  	s13 =	smov.u32 s15;
	s11 =	sadd.s32 $0x1000, s11;
	[sflag:s7] =	ssyncset.done $0x0  }
0x24: {  	s12 =	sadd.s32 s12, s6;
	[sflag:s7] =	ssyncadd.s32 $0xFFFF8000  }
0x25: {  	[tilespmem:s2], [sflag:$0x2] =	stream.linear.gather [hbm4b:s12+s2], $0x100, $0x38;
	[tilespmem:$0x8100] =	vst v63  }
0x26: {  	_ =	swait.ge [sflag:s7], $0x100  }
0x27: {  	[sflag:s7] =	ssyncset.done $0x0  }
0x28: {  	[sflag:s7] =	ssyncadd.s32 $0xFFFFFF00  }
0x29: {  	[tilespmem:s8], [sflag:$0x1] =	stream.indirect.gather [hbm4b:s3+s8], $0x80, s2, s8, $0xb8;
	[tilespmem:$0x8100] =	vst v63  }
0x2a: {  	s10 =	sadd.s32 $0x1, s10;
	_ =	swait.ge [sflag:s9], $0x8000  }
0x2b: {  	p0 =	sne.s32 s10, s4;
	[sflag:s9] =	ssyncset.done $0x0  }
.Ltmp1:
0x2c: {  	[sflag:s9] =	ssyncadd.s32 $0xFFFF8000;
	(pc) =	sbr.rel @p0 .LBB2_1-.Ltmp1, $4  }
0x2d: {  	[hbm4b:s11+s2] =	stream.linear.scatter [tilespmem:s8], [sflag:$0x2], $0x8000, $0x38;
	[tilespmem:$0x8100] =	vst v63  }
0x2e: {  	_ =	swait.ge [sflag:s7], $0x8000  }
0x2f: {  	[sflag:s7] =	ssyncset.done $0x0  }
0x30: {  	[sflag:s7] =	ssyncadd.s32 $0xFFFF8000  }
0x31: {  	_ =	sfence.sel $0x180000  }
0x32: {  	[bflag:$0x0] =	sbarrier.arrive $0xFFFF  }
0x33: {  	p0 =	sne.s32 s1, $0x0;
	_ =	strace $0x90000047  }
0x34: {  	s0 =	sadd.s32 @!p0 $0x100000, s0;
	[bflag:$0x2] =	sbarrier.arrive $0xFFFF  }
0x35: {  	[sflag:s0] =	ssyncadd.tile.s32 @!p0 $0x1;
	_ =	shalt  }
.Lfunc_end2:
_tile_overlayer_lowered:
.L_overlay_start_2:
0x36: {  	(tag) =	ssettag $0x2  }
0x37: {  	s0 =	rddreg [dreg:$0x0];
	s2 =	stileid.u32  }
0x38: {  	s1 =	rddreg [dreg:$0x1];
	p0 =	sne.s32 s2, $0x0  }
0x39: {  	s3 =	rddreg [dreg:$0x2];
	[bflag:$0x3] =	sbarrier.arrive $0xFFFF;
	s2 =	simm.s32 @!p0 $0x1C02  }
0x3a: {  	[timem:s3], [sflag:s2] =	dma.local @!p0 [hbm:s0], s1  }
0x3b: {  	s0 =	simm.s32 @!p0 $0x2  }
0x3c: {  	_ =	swait.ge @!p0 [sflag:s0], s1  }
0x3d: {  	s1 =	ssub.s32 @!p0 $0x0, s1;
	[sflag:s0] =	ssyncset.done @!p0 $0x0  }
0x3e: {  	[sflag:s0] =	ssyncadd.s32 @!p0 s1  }
0x3f: {  	[bflag:$0x3] =	sbarrier.arrive $0xFFFF  }
0x40: {  	_ =	shalt  }

</sc_bundles>
